<compile_context>
chip_gen: v7x
topology: tpu7x:2x2x1
jax: 0.10.2.dev20260603
libtpu: 0.0.44.dev20260713+nightly
codegen_flags: <defaults>
</compile_context>

<pallas_src>
import functools

import jax
import jax.numpy as jnp
from jax import lax
from jax.experimental import pallas as pl
from jax.experimental.pallas import tpu as pltpu
from jax.experimental.pallas import tpu_sc as plsc

N = 10000
NP = 10240
DF = 128
E = 320000
NW = 32
CH = 80
EP = NW * CH * 128
RT = NP // 16
BI = 20


@functools.cache
def _build_sc_feat_agg():
    mesh = plsc.VectorSubcoreMesh(core_axis_name="c", subcore_axis_name="s")

    @functools.partial(
        pl.kernel,
        out_type=[
            jax.ShapeDtypeStruct((2, NP, DF), jnp.float32),
            jax.ShapeDtypeStruct((2, NP // 128, 128), jnp.float32),
        ],
        mesh=mesh,
        compiler_params=pltpu.CompilerParams(use_tc_tiling_on_sc=False,
                                             needs_layout_passes=False),
        scratch_types=[
            pltpu.VMEM((BI, 128), jnp.int32),
            pltpu.VMEM((BI, 128), jnp.int32),
            pltpu.VMEM((128, DF), jnp.float32),
            pltpu.VMEM((128, DF), jnp.float32),
            pltpu.VMEM((NP // 128, 128), jnp.float32),
            pltpu.VMEM((NP // 128,), jnp.int32),
            pltpu.VMEM_SHARED((NP, DF), jnp.float32),
            pltpu.VMEM_SHARED((NP // 128, 128), jnp.float32),
            pltpu.SemaphoreType.DMA,
            pltpu.SemaphoreType.DMA,
            pltpu.SemaphoreType.DMA,
            pltpu.SemaphoreType.DMA,
        ],
    )
    def sc_feat_agg(xp_hbm, src_hbm, dst_hbm, agg_out, cnt_out, srcv, dstv,
                    gbuf0, gbuf1, cntv, riota, agg_sh, cnt_sh, sem0, sem1,
                    sem2, sem3):
        cid = lax.axis_index("c")
        sid = lax.axis_index("s")
        wid = sid * 2 + cid

        z16 = jnp.zeros((16,), jnp.float32)
        ones16 = jnp.ones((16,), jnp.float32)

        def _zrow(r, carry):
            for k in range(DF // 16):
                gbuf0[r, pl.ds(k * 16, 16)] = z16
            return carry

        lax.fori_loop(0, 128, _zrow, 0)

        def _zcnt(r, carry):
            for k in range(8):
                cntv[r, pl.ds(k * 16, 16)] = z16
            return carry

        lax.fori_loop(0, NP // 128, _zcnt, 0)
        for k in range(NP // 128 // 16):
            riota[pl.ds(k * 16, 16)] = lax.iota(jnp.int32, 16) + k * 16
        for kk in range(RT // 128):
            pltpu.sync_copy(gbuf0, agg_sh.at[pl.ds(sid * RT + kk * 128, 128)])
        pltpu.sync_copy(cntv.at[pl.ds(sid * 5, 5)],
                        cnt_sh.at[pl.ds(sid * 5, 5)])

        plsc.subcore_barrier()

        def _gstart(j, buf, sa, sb):
            del sb
            pltpu.async_copy(xp_hbm.at[srcv.at[j]], buf, sa)

        def _gwait(j, buf, sa, sb):
            del sb
            pltpu.make_async_copy(xp_hbm.at[srcv.at[j]], buf, sa).wait()

        def _block(b, carry):
            pltpu.sync_copy(src_hbm.at[wid, pl.ds(b * BI, BI)], srcv)
            pltpu.sync_copy(dst_hbm.at[wid, pl.ds(b * BI, BI)], dstv)
            _gstart(0, gbuf0, sem0, sem2)

            def _chunk2(i, c2):
                j0 = 2 * i
                _gstart(j0 + 1, gbuf1, sem1, sem3)
                _gwait(j0, gbuf0, sem0, sem2)
                pltpu.sync_copy(gbuf0, agg_sh.at[dstv.at[j0]], add=True)

                @pl.when(j0 + 2 < BI)
                def _():
                    _gstart(j0 + 2, gbuf0, sem0, sem2)

                for k in range(8):
                    d16 = dstv[j0, pl.ds(k * 16, 16)]
                    plsc.addupdate_scatter(
                        cntv, [d16 >> 7, d16 & 127], ones16)

                _gwait(j0 + 1, gbuf1, sem1, sem3)
                pltpu.sync_copy(gbuf1, agg_sh.at[dstv.at[j0 + 1]], add=True)

                for k in range(8):
                    d16 = dstv[j0 + 1, pl.ds(k * 16, 16)]
                    plsc.addupdate_scatter(
                        cntv, [d16 >> 7, d16 & 127], ones16)
                return c2

            lax.fori_loop(0, BI // 2, _chunk2, 0)
            return carry

        lax.fori_loop(0, CH // BI, _block, 0)

        pltpu.sync_copy(cntv, cnt_sh.at[riota], add=True)
        plsc.subcore_barrier()
        pltpu.sync_copy(agg_sh.at[pl.ds(sid * RT, RT)],
                        agg_out.at[cid, pl.ds(sid * RT, RT)])
        pltpu.sync_copy(cnt_sh.at[pl.ds(sid * 5, 5)],
                        cnt_out.at[cid, pl.ds(sid * 5, 5)])

    return sc_feat_agg


@functools.cache
def _build_sc_scalar_agg():
    mesh = plsc.VectorSubcoreMesh(core_axis_name="c", subcore_axis_name="s")

    @functools.partial(
        pl.kernel,
        out_type=jax.ShapeDtypeStruct((2, NP // 128, 128), jnp.float32),
        mesh=mesh,
        compiler_params=pltpu.CompilerParams(use_tc_tiling_on_sc=False,
                                             needs_layout_passes=False),
        scratch_types=[
            pltpu.VMEM((CH, 128), jnp.int32),
            pltpu.VMEM((CH, 128), jnp.int32),
            pltpu.VMEM((NP,), jnp.float32),
            pltpu.VMEM((NP // 128, 128), jnp.float32),
            pltpu.VMEM((NP // 128,), jnp.int32),
            pltpu.VMEM_SHARED((NP // 128, 128), jnp.float32),
        ],
    )
    def sc_scalar_agg(s_hbm, src_hbm, dst_hbm, m_out, srcv, dstv, sv, msum,
                      riota, m_sh):
        cid = lax.axis_index("c")
        sid = lax.axis_index("s")
        wid = sid * 2 + cid

        pltpu.sync_copy(src_hbm.at[wid], srcv)
        pltpu.sync_copy(dst_hbm.at[wid], dstv)
        pltpu.sync_copy(s_hbm, sv)

        z16 = jnp.zeros((16,), jnp.float32)

        def _zrow(r, carry):
            for k in range(8):
                msum[r, pl.ds(k * 16, 16)] = z16
            return carry

        lax.fori_loop(0, NP // 128, _zrow, 0)
        for k in range(NP // 128 // 16):
            riota[pl.ds(k * 16, 16)] = lax.iota(jnp.int32, 16) + k * 16
        pltpu.sync_copy(msum.at[pl.ds(sid * 5, 5)],
                        m_sh.at[pl.ds(sid * 5, 5)])

        plsc.subcore_barrier()

        def _chunk(j, carry):
            for k in range(8):
                sidx = srcv[j, pl.ds(k * 16, 16)]
                d16 = dstv[j, pl.ds(k * 16, 16)]
                val = plsc.load_gather(sv, [sidx])
                plsc.addupdate_scatter(msum, [d16 >> 7, d16 & 127], val)
            return carry

        lax.fori_loop(0, CH, _chunk, 0)

        pltpu.sync_copy(msum, m_sh.at[riota], add=True)
        plsc.subcore_barrier()
        pltpu.sync_copy(m_sh.at[pl.ds(sid * 5, 5)],
                        m_out.at[cid, pl.ds(sid * 5, 5)])

    return sc_scalar_agg


def _tc_layer1_body(agg_ref, cnt_ref, x_ref, W1l_ref, b1l_ref, W1r_ref,
                    W2l_ref, W2r_ref, Wout_ref, s_ref, t_ref):
    feat = agg_ref[0] + agg_ref[1]
    cnt = cnt_ref[0] + cnt_ref[1]
    mean = feat * (1.0 / jnp.maximum(cnt, 1.0))
    x = x_ref[...]
    cdims = (((1,), (1,)), ((), ()))
    z = (lax.dot_general(mean, W1l_ref[...], cdims,
                         preferred_element_type=jnp.float32,
                         precision=lax.Precision.HIGHEST)
         + b1l_ref[...]
         + lax.dot_general(x, W1r_ref[...], cdims,
                           preferred_element_type=jnp.float32,
                         precision=lax.Precision.HIGHEST))
    h = jnp.maximum(z, 0.0)
    v = jnp.dot(Wout_ref[...], W2l_ref[...],
                preferred_element_type=jnp.float32,
                         precision=lax.Precision.HIGHEST)
    u = jnp.dot(Wout_ref[...], W2r_ref[...],
                preferred_element_type=jnp.float32,
                         precision=lax.Precision.HIGHEST)
    s_ref[...] = lax.dot_general(h, v, cdims,
                                 preferred_element_type=jnp.float32,
                         precision=lax.Precision.HIGHEST)
    t_ref[...] = lax.dot_general(h, u, cdims,
                                 preferred_element_type=jnp.float32,
                         precision=lax.Precision.HIGHEST)


_BLK = 1024


def _tc_layer1(agg, cnt3, x2, W1l, b1l2, W1r, W2l, W2r, Wout):
    grid = (NP // _BLK,)
    wspec = pl.BlockSpec((128, 128), lambda i: (0, 0))
    rspec = pl.BlockSpec((1, 128), lambda i: (0, 0))
    return pl.pallas_call(
        _tc_layer1_body,
        grid=grid,
        in_specs=[
            pl.BlockSpec((2, _BLK, DF), lambda i: (0, i, 0)),
            pl.BlockSpec((2, _BLK, 1), lambda i: (0, i, 0)),
            pl.BlockSpec((_BLK, 128), lambda i: (i, 0)),
            wspec, rspec, wspec, wspec, wspec, rspec,
        ],
        out_specs=[
            pl.BlockSpec((_BLK, 1), lambda i: (i, 0)),
            pl.BlockSpec((_BLK, 1), lambda i: (i, 0)),
        ],
        out_shape=[
            jax.ShapeDtypeStruct((NP, 1), jnp.float32),
            jax.ShapeDtypeStruct((NP, 1), jnp.float32),
        ],
    )(agg, cnt3, x2, W1l, b1l2, W1r, W2l, W2r, Wout)


def _tc_final_body(m_ref, cnt_ref, t_ref, b2l_ref, Wout_ref, bout_ref,
                   out_ref):
    c = jnp.sum(Wout_ref[...] * b2l_ref[...]) + jnp.sum(bout_ref[...])
    msum = m_ref[0] + m_ref[1]
    cnt = cnt_ref[0] + cnt_ref[1]
    out_ref[...] = msum * (1.0 / jnp.maximum(cnt, 1.0)) + t_ref[...] + c


def _tc_final(m2, cnt2, t2, b2l2, Wout, bout2):
    return pl.pallas_call(
        _tc_final_body,
        out_shape=jax.ShapeDtypeStruct((NP // 128, 128), jnp.float32),
    )(m2, cnt2, t2, b2l2, Wout, bout2)


def kernel(x, edge_index, W1l, b1l, W1r, W2l, b2l, W2r, Wout, bout):
    src = edge_index[0].astype(jnp.int32)
    dst = edge_index[1].astype(jnp.int32)
    npad = EP - E
    pad_src = (jnp.arange(npad, dtype=jnp.int32) * 997) % N
    pad_dst = N + (jnp.arange(npad, dtype=jnp.int32) % (NP - N))
    src3 = jnp.concatenate([src, pad_src]).reshape(NW, CH, 128)
    dst3 = jnp.concatenate([dst, pad_dst]).reshape(NW, CH, 128)

    xp = jnp.zeros((NP, DF), jnp.float32)
    xp = xp.at[:N].set(x)

    agg, cnt = _build_sc_feat_agg()(xp, src3, dst3)

    s, t = _tc_layer1(agg, cnt.reshape(2, NP, 1), xp, W1l,
                      b1l.reshape(1, 128), W1r, W2l, W2r,
                      Wout)

    m = _build_sc_scalar_agg()(s.reshape(NP), src3, dst3)

    cnt2 = cnt.reshape(2, NP // 128, 128)
    out = _tc_final(m, cnt2,
                    t.reshape(NP // 128, 128), b2l.reshape(1, 128), Wout,
                    bout.reshape(1, 1))
    return out.reshape(NP)[:N]

# --- scband reference (transcript-rebuilt; emitter-appended) ---
"""Pipeline reference for scband-sageonly-30193620091065 (READ-ONLY COPY).

The authoritative reference and input builder live on the scoring server;
editing this copy changes nothing except your own understanding.
"""

import jax, jax.numpy as jnp
import numpy as np

N_NODES = 10000
N_EDGES = 320000
D_IN = 128
H = 128


def setup_inputs(seed: int = 0) -> dict:
    key = jax.random.key(seed)
    ks = jax.random.split(key, 10)
    x = jax.random.normal(ks[0], (N_NODES, D_IN), dtype=jnp.float32)
    edge_index = jax.random.randint(ks[1], (2, N_EDGES), 0, N_NODES, dtype=jnp.int64)
    s1 = 1.0 / np.sqrt(D_IN)
    s2 = 1.0 / np.sqrt(H)
    # SAGEConv c1: lin_l (aggregated neighbors, with bias), lin_r (root, no bias)
    W1l = jax.random.uniform(ks[2], (H, D_IN), jnp.float32, -s1, s1)
    b1l = jax.random.uniform(ks[3], (H,), jnp.float32, -s1, s1)
    W1r = jax.random.uniform(ks[4], (H, D_IN), jnp.float32, -s1, s1)
    # SAGEConv c2
    W2l = jax.random.uniform(ks[5], (H, H), jnp.float32, -s2, s2)
    b2l = jax.random.uniform(ks[6], (H,), jnp.float32, -s2, s2)
    W2r = jax.random.uniform(ks[7], (H, H), jnp.float32, -s2, s2)
    # output linear
    Wout = jax.random.uniform(ks[8], (1, H), jnp.float32, -s2, s2)
    bout = jax.random.uniform(ks[9], (1,), jnp.float32, -s2, s2)
    return {"x": x, "edge_index": edge_index, "W1l": W1l, "b1l": b1l, "W1r": W1r,
            "W2l": W2l, "b2l": b2l, "W2r": W2r, "Wout": Wout, "bout": bout}


def _sage_conv(x, edge_index, Wl, bl, Wr):
    # PyG SAGEConv with mean aggregation:
    # out_i = Wl @ mean_{j in N(i)} x_j + bl + Wr @ x_i
    src = edge_index[0]
    dst = edge_index[1]
    n = x.shape[0]
    msgs = jnp.take(x, src, axis=0)
    agg = jax.ops.segment_sum(msgs, dst, num_segments=n)
    cnt = jax.ops.segment_sum(jnp.ones((src.shape[0],), dtype=x.dtype), dst, num_segments=n)
    mean = agg / jnp.clip(cnt, 1.0, None)[:, None]
    return mean @ Wl.T + bl + x @ Wr.T


def reference(x, edge_index, W1l, b1l, W1r, W2l, b2l, W2r, Wout, bout):
    h = jax.nn.relu(_sage_conv(x, edge_index, W1l, b1l, W1r))
    h = _sage_conv(h, edge_index, W2l, b2l, W2r)
    out = h @ Wout.T + bout
    return jnp.squeeze(out, axis=-1)

if __name__ == "__main__":
    import jax
    _d = setup_inputs()
    print(jax.jit(kernel)(*tuple(_d.values())))

</pallas_src>

<mosaic_0001>
#map = affine_map<(d0, d1) -> (0, 0)>
#map1 = affine_map<(d0, d1) -> (0, 0, 0)>
module attributes {stable_mosaic.version = 14 : i64} {
  func.func @sc_feat_agg(%arg0: i32, %arg1: i32, %arg2: memref<10240x128xf32, #tpu.memory_space<hbm>>, %arg3: memref<32x80x128xi32, #tpu.memory_space<hbm>>, %arg4: memref<32x80x128xi32, #tpu.memory_space<hbm>>, %arg5: memref<2x10240x128xf32, #tpu.memory_space<hbm>>, %arg6: memref<2x80x128xf32, #tpu.memory_space<hbm>>, %arg7: memref<20x128xi32, #tpu.memory_space<vmem>>, %arg8: memref<20x128xi32, #tpu.memory_space<vmem>>, %arg9: memref<128x128xf32, #tpu.memory_space<vmem>>, %arg10: memref<128x128xf32, #tpu.memory_space<vmem>>, %arg11: memref<80x128xf32, #tpu.memory_space<vmem>>, %arg12: memref<80xi32, #tpu.memory_space<vmem>>, %arg13: memref<10240x128xf32, #tpu.memory_space<vmem_shared>>, %arg14: memref<80x128xf32, #tpu.memory_space<vmem_shared>>, %arg15: memref<!tpu.dma_semaphore, #tpu.memory_space<semaphore_mem>>, %arg16: memref<!tpu.dma_semaphore, #tpu.memory_space<semaphore_mem>>, %arg17: memref<!tpu.dma_semaphore, #tpu.memory_space<semaphore_mem>>, %arg18: memref<!tpu.dma_semaphore, #tpu.memory_space<semaphore_mem>>) attributes {dimension_semantics = [#tpu.dimension_semantics<core_parallel>, #tpu.dimension_semantics<subcore_parallel>], iteration_bounds = array<i64: 2, 16>, scalar_prefetch = 0 : i64, scratch_operands = 12 : i64, tpu.core_type = #tpu.core_type<sc_vector_subcore>, window_params = [{transform_indices = #map}, {transform_indices = #map1}, {transform_indices = #map1}, {transform_indices = #map1}, {transform_indices = #map1}]} {
    %mul3A = arith.constant 2 : i32
    %mul3A_0 = arith.muli %arg1, %mul3A : i32
    %add3A = arith.addi %mul3A_0, %arg0 : i32
    %broadcast_in_dim3A = arith.constant 0.000000e+00 : f32
    %broadcast_in_dim3A_1 = vector.broadcast %broadcast_in_dim3A : f32 to vector<16xf32>
    %broadcast_in_dim3A_2 = arith.constant 1.000000e+00 : f32
    %broadcast_in_dim3A_3 = vector.broadcast %broadcast_in_dim3A_2 : f32 to vector<16xf32>
    %scan3A = arith.constant 0 : i32
    %scan3A_4 = arith.constant 0 : i32
    %scan3A_5 = arith.constant 128 : i32
    %scan3A_6 = arith.addi %scan3A_4, %scan3A_5 : i32
    %scan3A_7 = arith.constant 1 : i32
    scf.for %scan3A_82 = %scan3A_4 to %scan3A_6 step %scan3A_7  : i32 {
      %swap3A_83 = arith.index_cast %scan3A_82 : i32 to index
      %swap3A_84 = arith.constant 0 : index
      %swap3A_85 = tpu.vector_load %arg9[%swap3A_83, %swap3A_84] {strides = array<i32>} : memref<128x128xf32, #tpu.memory_space<vmem>>, vector<16xf32>,
      tpu.vector_store %arg9[%swap3A_83, %swap3A_84], %broadcast_in_dim3A_1 {strides = array<i32>} : memref<128x128xf32, #tpu.memory_space<vmem>>, vector<16xf32>,
      %swap3A_86 = arith.index_cast %scan3A_82 : i32 to index
      %swap3A_87 = arith.constant 16 : index
      %swap3A_88 = tpu.vector_load %arg9[%swap3A_86, %swap3A_87] {strides = array<i32>} : memref<128x128xf32, #tpu.memory_space<vmem>>, vector<16xf32>,
      tpu.vector_store %arg9[%swap3A_86, %swap3A_87], %broadcast_in_dim3A_1 {strides = array<i32>} : memref<128x128xf32, #tpu.memory_space<vmem>>, vector<16xf32>,
      %swap3A_89 = arith.index_cast %scan3A_82 : i32 to index
      %swap3A_90 = arith.constant 32 : index
      %swap3A_91 = tpu.vector_load %arg9[%swap3A_89, %swap3A_90] {strides = array<i32>} : memref<128x128xf32, #tpu.memory_space<vmem>>, vector<16xf32>,
      tpu.vector_store %arg9[%swap3A_89, %swap3A_90], %broadcast_in_dim3A_1 {strides = array<i32>} : memref<128x128xf32, #tpu.memory_space<vmem>>, vector<16xf32>,
      %swap3A_92 = arith.index_cast %scan3A_82 : i32 to index
      %swap3A_93 = arith.constant 48 : index
      %swap3A_94 = tpu.vector_load %arg9[%swap3A_92, %swap3A_93] {strides = array<i32>} : memref<128x128xf32, #tpu.memory_space<vmem>>, vector<16xf32>,
      tpu.vector_store %arg9[%swap3A_92, %swap3A_93], %broadcast_in_dim3A_1 {strides = array<i32>} : memref<128x128xf32, #tpu.memory_space<vmem>>, vector<16xf32>,
      %swap3A_95 = arith.index_cast %scan3A_82 : i32 to index
      %swap3A_96 = arith.constant 64 : index
      %swap3A_97 = tpu.vector_load %arg9[%swap3A_95, %swap3A_96] {strides = array<i32>} : memref<128x128xf32, #tpu.memory_space<vmem>>, vector<16xf32>,
      tpu.vector_store %arg9[%swap3A_95, %swap3A_96], %broadcast_in_dim3A_1 {strides = array<i32>} : memref<128x128xf32, #tpu.memory_space<vmem>>, vector<16xf32>,
      %swap3A_98 = arith.index_cast %scan3A_82 : i32 to index
      %swap3A_99 = arith.constant 80 : index
      %swap3A_100 = tpu.vector_load %arg9[%swap3A_98, %swap3A_99] {strides = array<i32>} : memref<128x128xf32, #tpu.memory_space<vmem>>, vector<16xf32>,
      tpu.vector_store %arg9[%swap3A_98, %swap3A_99], %broadcast_in_dim3A_1 {strides = array<i32>} : memref<128x128xf32, #tpu.memory_space<vmem>>, vector<16xf32>,
      %swap3A_101 = arith.index_cast %scan3A_82 : i32 to index
      %swap3A_102 = arith.constant 96 : index
      %swap3A_103 = tpu.vector_load %arg9[%swap3A_101, %swap3A_102] {strides = array<i32>} : memref<128x128xf32, #tpu.memory_space<vmem>>, vector<16xf32>,
      tpu.vector_store %arg9[%swap3A_101, %swap3A_102], %broadcast_in_dim3A_1 {strides = array<i32>} : memref<128x128xf32, #tpu.memory_space<vmem>>, vector<16xf32>,
      %swap3A_104 = arith.index_cast %scan3A_82 : i32 to index
      %swap3A_105 = arith.constant 112 : index
      %swap3A_106 = tpu.vector_load %arg9[%swap3A_104, %swap3A_105] {strides = array<i32>} : memref<128x128xf32, #tpu.memory_space<vmem>>, vector<16xf32>,
      tpu.vector_store %arg9[%swap3A_104, %swap3A_105], %broadcast_in_dim3A_1 {strides = array<i32>} : memref<128x128xf32, #tpu.memory_space<vmem>>, vector<16xf32>,
    }
    %scan3A_8 = arith.constant 128 : i32
    %scan3A_9 = arith.constant 0 : i32
    %scan3A_10 = arith.constant 0 : i32
    %scan3A_11 = arith.constant 80 : i32
    %scan3A_12 = arith.addi %scan3A_10, %scan3A_11 : i32
    %scan3A_13 = arith.constant 1 : i32
    scf.for %scan3A_82 = %scan3A_10 to %scan3A_12 step %scan3A_13  : i32 {
      %swap3A_83 = arith.index_cast %scan3A_82 : i32 to index
      %swap3A_84 = arith.constant 0 : index
      %swap3A_85 = tpu.vector_load %arg11[%swap3A_83, %swap3A_84] {strides = array<i32>} : memref<80x128xf32, #tpu.memory_space<vmem>>, vector<16xf32>,
      tpu.vector_store %arg11[%swap3A_83, %swap3A_84], %broadcast_in_dim3A_1 {strides = array<i32>} : memref<80x128xf32, #tpu.memory_space<vmem>>, vector<16xf32>,
      %swap3A_86 = arith.index_cast %scan3A_82 : i32 to index
      %swap3A_87 = arith.constant 16 : index
      %swap3A_88 = tpu.vector_load %arg11[%swap3A_86, %swap3A_87] {strides = array<i32>} : memref<80x128xf32, #tpu.memory_space<vmem>>, vector<16xf32>,
      tpu.vector_store %arg11[%swap3A_86, %swap3A_87], %broadcast_in_dim3A_1 {strides = array<i32>} : memref<80x128xf32, #tpu.memory_space<vmem>>, vector<16xf32>,
      %swap3A_89 = arith.index_cast %scan3A_82 : i32 to index
      %swap3A_90 = arith.constant 32 : index
      %swap3A_91 = tpu.vector_load %arg11[%swap3A_89, %swap3A_90] {strides = array<i32>} : memref<80x128xf32, #tpu.memory_space<vmem>>, vector<16xf32>,
      tpu.vector_store %arg11[%swap3A_89, %swap3A_90], %broadcast_in_dim3A_1 {strides = array<i32>} : memref<80x128xf32, #tpu.memory_space<vmem>>, vector<16xf32>,
      %swap3A_92 = arith.index_cast %scan3A_82 : i32 to index
      %swap3A_93 = arith.constant 48 : index
      %swap3A_94 = tpu.vector_load %arg11[%swap3A_92, %swap3A_93] {strides = array<i32>} : memref<80x128xf32, #tpu.memory_space<vmem>>, vector<16xf32>,
      tpu.vector_store %arg11[%swap3A_92, %swap3A_93], %broadcast_in_dim3A_1 {strides = array<i32>} : memref<80x128xf32, #tpu.memory_space<vmem>>, vector<16xf32>,
      %swap3A_95 = arith.index_cast %scan3A_82 : i32 to index
      %swap3A_96 = arith.constant 64 : index
      %swap3A_97 = tpu.vector_load %arg11[%swap3A_95, %swap3A_96] {strides = array<i32>} : memref<80x128xf32, #tpu.memory_space<vmem>>, vector<16xf32>,
      tpu.vector_store %arg11[%swap3A_95, %swap3A_96], %broadcast_in_dim3A_1 {strides = array<i32>} : memref<80x128xf32, #tpu.memory_space<vmem>>, vector<16xf32>,
      %swap3A_98 = arith.index_cast %scan3A_82 : i32 to index
      %swap3A_99 = arith.constant 80 : index
      %swap3A_100 = tpu.vector_load %arg11[%swap3A_98, %swap3A_99] {strides = array<i32>} : memref<80x128xf32, #tpu.memory_space<vmem>>, vector<16xf32>,
      tpu.vector_store %arg11[%swap3A_98, %swap3A_99], %broadcast_in_dim3A_1 {strides = array<i32>} : memref<80x128xf32, #tpu.memory_space<vmem>>, vector<16xf32>,
      %swap3A_101 = arith.index_cast %scan3A_82 : i32 to index
      %swap3A_102 = arith.constant 96 : index
      %swap3A_103 = tpu.vector_load %arg11[%swap3A_101, %swap3A_102] {strides = array<i32>} : memref<80x128xf32, #tpu.memory_space<vmem>>, vector<16xf32>,
      tpu.vector_store %arg11[%swap3A_101, %swap3A_102], %broadcast_in_dim3A_1 {strides = array<i32>} : memref<80x128xf32, #tpu.memory_space<vmem>>, vector<16xf32>,
      %swap3A_104 = arith.index_cast %scan3A_82 : i32 to index
      %swap3A_105 = arith.constant 112 : index
      %swap3A_106 = tpu.vector_load %arg11[%swap3A_104, %swap3A_105] {strides = array<i32>} : memref<80x128xf32, #tpu.memory_space<vmem>>, vector<16xf32>,
      tpu.vector_store %arg11[%swap3A_104, %swap3A_105], %broadcast_in_dim3A_1 {strides = array<i32>} : memref<80x128xf32, #tpu.memory_space<vmem>>, vector<16xf32>,
    }
    %scan3A_14 = arith.constant 80 : i32
    %iota3A = tpu.iota {dimensions = array<i32: 0>} : vector<16xi32>
    %add3A_15 = arith.constant 0 : i32
    %add3A_16 = vector.broadcast %add3A_15 : i32 to vector<16xi32>
    %add3A_17 = arith.addi %iota3A, %add3A_16 : vector<16xi32>
    %swap3A = arith.constant 0 : index
    %swap3A_18 = tpu.vector_load %arg12[%swap3A] {strides = array<i32>} : memref<80xi32, #tpu.memory_space<vmem>>, vector<16xi32>,
    tpu.vector_store %arg12[%swap3A], %add3A_17 {strides = array<i32>} : memref<80xi32, #tpu.memory_space<vmem>>, vector<16xi32>,
    %iota3A_19 = tpu.iota {dimensions = array<i32: 0>} : vector<16xi32>
    %add3A_20 = arith.constant 16 : i32
    %add3A_21 = vector.broadcast %add3A_20 : i32 to vector<16xi32>
    %add3A_22 = arith.addi %iota3A_19, %add3A_21 : vector<16xi32>
    %swap3A_23 = arith.constant 16 : index
    %swap3A_24 = tpu.vector_load %arg12[%swap3A_23] {strides = array<i32>} : memref<80xi32, #tpu.memory_space<vmem>>, vector<16xi32>,
    tpu.vector_store %arg12[%swap3A_23], %add3A_22 {strides = array<i32>} : memref<80xi32, #tpu.memory_space<vmem>>, vector<16xi32>,
    %iota3A_25 = tpu.iota {dimensions = array<i32: 0>} : vector<16xi32>
    %add3A_26 = arith.constant 32 : i32
    %add3A_27 = vector.broadcast %add3A_26 : i32 to vector<16xi32>
    %add3A_28 = arith.addi %iota3A_25, %add3A_27 : vector<16xi32>
    %swap3A_29 = arith.constant 32 : index
    %swap3A_30 = tpu.vector_load %arg12[%swap3A_29] {strides = array<i32>} : memref<80xi32, #tpu.memory_space<vmem>>, vector<16xi32>,
    tpu.vector_store %arg12[%swap3A_29], %add3A_28 {strides = array<i32>} : memref<80xi32, #tpu.memory_space<vmem>>, vector<16xi32>,
    %iota3A_31 = tpu.iota {dimensions = array<i32: 0>} : vector<16xi32>
    %add3A_32 = arith.constant 48 : i32
    %add3A_33 = vector.broadcast %add3A_32 : i32 to vector<16xi32>
    %add3A_34 = arith.addi %iota3A_31, %add3A_33 : vector<16xi32>
    %swap3A_35 = arith.constant 48 : index
    %swap3A_36 = tpu.vector_load %arg12[%swap3A_35] {strides = array<i32>} : memref<80xi32, #tpu.memory_space<vmem>>, vector<16xi32>,
    tpu.vector_store %arg12[%swap3A_35], %add3A_34 {strides = array<i32>} : memref<80xi32, #tpu.memory_space<vmem>>, vector<16xi32>,
    %iota3A_37 = tpu.iota {dimensions = array<i32: 0>} : vector<16xi32>
    %add3A_38 = arith.constant 64 : i32
    %add3A_39 = vector.broadcast %add3A_38 : i32 to vector<16xi32>
    %add3A_40 = arith.addi %iota3A_37, %add3A_39 : vector<16xi32>
    %swap3A_41 = arith.constant 64 : index
    %swap3A_42 = tpu.vector_load %arg12[%swap3A_41] {strides = array<i32>} : memref<80xi32, #tpu.memory_space<vmem>>, vector<16xi32>,
    tpu.vector_store %arg12[%swap3A_41], %add3A_40 {strides = array<i32>} : memref<80xi32, #tpu.memory_space<vmem>>, vector<16xi32>,
    %mul3A_43 = arith.constant 640 : i32
    %mul3A_44 = arith.muli %arg1, %mul3A_43 : i32
    %add3A_45 = arith.constant 0 : i32
    %add3A_46 = arith.addi %mul3A_44, %add3A_45 : i32
    "tpu.region"() ({
      %run_scoped3A = tpu.sem_alloc : memref<!tpu.dma_semaphore, #tpu.memory_space<semaphore_mem>>
      %dma_start3A = arith.constant 0 : i32
      %dma_start3A_82 = tpu.memref_slice %arg13[%add3A_46, %dma_start3A] : memref<10240x128xf32, #tpu.memory_space<vmem_shared>> -> memref<128x128xf32, #tpu.memory_space<vmem_shared>>
      %dma_start3A_83 = arith.constant 0 : i32
      %dma_start3A_84 = tpu.memref_slice %arg13[%add3A_46, %dma_start3A_83] : memref<10240x128xf32, #tpu.memory_space<vmem_shared>> -> memref<128x128xf32, #tpu.memory_space<vmem_shared>>
      tpu.enqueue_dma source(%arg9 : memref<128x128xf32, #tpu.memory_space<vmem>>) target(%dma_start3A_84 : memref<128x128xf32, #tpu.memory_space<vmem_shared>>) target_semaphore(%run_scoped3A : memref<!tpu.dma_semaphore, #tpu.memory_space<semaphore_mem>>)
      %dma_wait3A = arith.constant 0 : i32
      %dma_wait3A_85 = tpu.memref_slice %arg13[%add3A_46, %dma_wait3A] : memref<10240x128xf32, #tpu.memory_space<vmem_shared>> -> memref<128x128xf32, #tpu.memory_space<vmem_shared>>
      %dma_wait3A_86 = arith.constant 0 : i32
      %dma_wait3A_87 = tpu.memref_slice %arg13[%add3A_46, %dma_wait3A_86] : memref<10240x128xf32, #tpu.memory_space<vmem_shared>> -> memref<128x128xf32, #tpu.memory_space<vmem_shared>>
      tpu.wait_dma2 semaphore(%run_scoped3A : memref<!tpu.dma_semaphore, #tpu.memory_space<semaphore_mem>>) src(%arg9 : memref<128x128xf32, #tpu.memory_space<vmem>>) dst(%dma_wait3A_87 : memref<128x128xf32, #tpu.memory_space<vmem_shared>>)
      tpu.yield
    }) : () -> ()
    %mul3A_47 = arith.constant 640 : i32
    %mul3A_48 = arith.muli %arg1, %mul3A_47 : i32
    %add3A_49 = arith.constant 128 : i32
    %add3A_50 = arith.addi %mul3A_48, %add3A_49 : i32
    "tpu.region"() ({
      %run_scoped3A = tpu.sem_alloc : memref<!tpu.dma_semaphore, #tpu.memory_space<semaphore_mem>>
      %dma_start3A = arith.constant 0 : i32
      %dma_start3A_82 = tpu.memref_slice %arg13[%add3A_50, %dma_start3A] : memref<10240x128xf32, #tpu.memory_space<vmem_shared>> -> memref<128x128xf32, #tpu.memory_space<vmem_shared>>
      %dma_start3A_83 = arith.constant 0 : i32
      %dma_start3A_84 = tpu.memref_slice %arg13[%add3A_50, %dma_start3A_83] : memref<10240x128xf32, #tpu.memory_space<vmem_shared>> -> memref<128x128xf32, #tpu.memory_space<vmem_shared>>
      tpu.enqueue_dma source(%arg9 : memref<128x128xf32, #tpu.memory_space<vmem>>) target(%dma_start3A_84 : memref<128x128xf32, #tpu.memory_space<vmem_shared>>) target_semaphore(%run_scoped3A : memref<!tpu.dma_semaphore, #tpu.memory_space<semaphore_mem>>)
      %dma_wait3A = arith.constant 0 : i32
      %dma_wait3A_85 = tpu.memref_slice %arg13[%add3A_50, %dma_wait3A] : memref<10240x128xf32, #tpu.memory_space<vmem_shared>> -> memref<128x128xf32, #tpu.memory_space<vmem_shared>>
      %dma_wait3A_86 = arith.constant 0 : i32
      %dma_wait3A_87 = tpu.memref_slice %arg13[%add3A_50, %dma_wait3A_86] : memref<10240x128xf32, #tpu.memory_space<vmem_shared>> -> memref<128x128xf32, #tpu.memory_space<vmem_shared>>
      tpu.wait_dma2 semaphore(%run_scoped3A : memref<!tpu.dma_semaphore, #tpu.memory_space<semaphore_mem>>) src(%arg9 : memref<128x128xf32, #tpu.memory_space<vmem>>) dst(%dma_wait3A_87 : memref<128x128xf32, #tpu.memory_space<vmem_shared>>)
      tpu.yield
    }) : () -> ()
    %mul3A_51 = arith.constant 640 : i32
    %mul3A_52 = arith.muli %arg1, %mul3A_51 : i32
    %add3A_53 = arith.constant 256 : i32
    %add3A_54 = arith.addi %mul3A_52, %add3A_53 : i32
    "tpu.region"() ({
      %run_scoped3A = tpu.sem_alloc : memref<!tpu.dma_semaphore, #tpu.memory_space<semaphore_mem>>
      %dma_start3A = arith.constant 0 : i32
      %dma_start3A_82 = tpu.memref_slice %arg13[%add3A_54, %dma_start3A] : memref<10240x128xf32, #tpu.memory_space<vmem_shared>> -> memref<128x128xf32, #tpu.memory_space<vmem_shared>>
      %dma_start3A_83 = arith.constant 0 : i32
      %dma_start3A_84 = tpu.memref_slice %arg13[%add3A_54, %dma_start3A_83] : memref<10240x128xf32, #tpu.memory_space<vmem_shared>> -> memref<128x128xf32, #tpu.memory_space<vmem_shared>>
      tpu.enqueue_dma source(%arg9 : memref<128x128xf32, #tpu.memory_space<vmem>>) target(%dma_start3A_84 : memref<128x128xf32, #tpu.memory_space<vmem_shared>>) target_semaphore(%run_scoped3A : memref<!tpu.dma_semaphore, #tpu.memory_space<semaphore_mem>>)
      %dma_wait3A = arith.constant 0 : i32
      %dma_wait3A_85 = tpu.memref_slice %arg13[%add3A_54, %dma_wait3A] : memref<10240x128xf32, #tpu.memory_space<vmem_shared>> -> memref<128x128xf32, #tpu.memory_space<vmem_shared>>
      %dma_wait3A_86 = arith.constant 0 : i32
      %dma_wait3A_87 = tpu.memref_slice %arg13[%add3A_54, %dma_wait3A_86] : memref<10240x128xf32, #tpu.memory_space<vmem_shared>> -> memref<128x128xf32, #tpu.memory_space<vmem_shared>>
      tpu.wait_dma2 semaphore(%run_scoped3A : memref<!tpu.dma_semaphore, #tpu.memory_space<semaphore_mem>>) src(%arg9 : memref<128x128xf32, #tpu.memory_space<vmem>>) dst(%dma_wait3A_87 : memref<128x128xf32, #tpu.memory_space<vmem_shared>>)
      tpu.yield
    }) : () -> ()
    %mul3A_55 = arith.constant 640 : i32
    %mul3A_56 = arith.muli %arg1, %mul3A_55 : i32
    %add3A_57 = arith.constant 384 : i32
    %add3A_58 = arith.addi %mul3A_56, %add3A_57 : i32
    "tpu.region"() ({
      %run_scoped3A = tpu.sem_alloc : memref<!tpu.dma_semaphore, #tpu.memory_space<semaphore_mem>>
      %dma_start3A = arith.constant 0 : i32
      %dma_start3A_82 = tpu.memref_slice %arg13[%add3A_58, %dma_start3A] : memref<10240x128xf32, #tpu.memory_space<vmem_shared>> -> memref<128x128xf32, #tpu.memory_space<vmem_shared>>
      %dma_start3A_83 = arith.constant 0 : i32
      %dma_start3A_84 = tpu.memref_slice %arg13[%add3A_58, %dma_start3A_83] : memref<10240x128xf32, #tpu.memory_space<vmem_shared>> -> memref<128x128xf32, #tpu.memory_space<vmem_shared>>
      tpu.enqueue_dma source(%arg9 : memref<128x128xf32, #tpu.memory_space<vmem>>) target(%dma_start3A_84 : memref<128x128xf32, #tpu.memory_space<vmem_shared>>) target_semaphore(%run_scoped3A : memref<!tpu.dma_semaphore, #tpu.memory_space<semaphore_mem>>)
      %dma_wait3A = arith.constant 0 : i32
      %dma_wait3A_85 = tpu.memref_slice %arg13[%add3A_58, %dma_wait3A] : memref<10240x128xf32, #tpu.memory_space<vmem_shared>> -> memref<128x128xf32, #tpu.memory_space<vmem_shared>>
      %dma_wait3A_86 = arith.constant 0 : i32
      %dma_wait3A_87 = tpu.memref_slice %arg13[%add3A_58, %dma_wait3A_86] : memref<10240x128xf32, #tpu.memory_space<vmem_shared>> -> memref<128x128xf32, #tpu.memory_space<vmem_shared>>
      tpu.wait_dma2 semaphore(%run_scoped3A : memref<!tpu.dma_semaphore, #tpu.memory_space<semaphore_mem>>) src(%arg9 : memref<128x128xf32, #tpu.memory_space<vmem>>) dst(%dma_wait3A_87 : memref<128x128xf32, #tpu.memory_space<vmem_shared>>)
      tpu.yield
    }) : () -> ()
    %mul3A_59 = arith.constant 640 : i32
    %mul3A_60 = arith.muli %arg1, %mul3A_59 : i32
    %add3A_61 = arith.constant 512 : i32
    %add3A_62 = arith.addi %mul3A_60, %add3A_61 : i32
    "tpu.region"() ({
      %run_scoped3A = tpu.sem_alloc : memref<!tpu.dma_semaphore, #tpu.memory_space<semaphore_mem>>
      %dma_start3A = arith.constant 0 : i32
      %dma_start3A_82 = tpu.memref_slice %arg13[%add3A_62, %dma_start3A] : memref<10240x128xf32, #tpu.memory_space<vmem_shared>> -> memref<128x128xf32, #tpu.memory_space<vmem_shared>>
      %dma_start3A_83 = arith.constant 0 : i32
      %dma_start3A_84 = tpu.memref_slice %arg13[%add3A_62, %dma_start3A_83] : memref<10240x128xf32, #tpu.memory_space<vmem_shared>> -> memref<128x128xf32, #tpu.memory_space<vmem_shared>>
      tpu.enqueue_dma source(%arg9 : memref<128x128xf32, #tpu.memory_space<vmem>>) target(%dma_start3A_84 : memref<128x128xf32, #tpu.memory_space<vmem_shared>>) target_semaphore(%run_scoped3A : memref<!tpu.dma_semaphore, #tpu.memory_space<semaphore_mem>>)
      %dma_wait3A = arith.constant 0 : i32
      %dma_wait3A_85 = tpu.memref_slice %arg13[%add3A_62, %dma_wait3A] : memref<10240x128xf32, #tpu.memory_space<vmem_shared>> -> memref<128x128xf32, #tpu.memory_space<vmem_shared>>
      %dma_wait3A_86 = arith.constant 0 : i32
      %dma_wait3A_87 = tpu.memref_slice %arg13[%add3A_62, %dma_wait3A_86] : memref<10240x128xf32, #tpu.memory_space<vmem_shared>> -> memref<128x128xf32, #tpu.memory_space<vmem_shared>>
      tpu.wait_dma2 semaphore(%run_scoped3A : memref<!tpu.dma_semaphore, #tpu.memory_space<semaphore_mem>>) src(%arg9 : memref<128x128xf32, #tpu.memory_space<vmem>>) dst(%dma_wait3A_87 : memref<128x128xf32, #tpu.memory_space<vmem_shared>>)
      tpu.yield
    }) : () -> ()
    %mul3A_63 = arith.constant 5 : i32
    %mul3A_64 = arith.muli %arg1, %mul3A_63 : i32
    %mul3A_65 = arith.constant 5 : i32
    %mul3A_66 = arith.muli %arg1, %mul3A_65 : i32
    "tpu.region"() ({
      %run_scoped3A = tpu.sem_alloc : memref<!tpu.dma_semaphore, #tpu.memory_space<semaphore_mem>>
      %dma_start3A = arith.constant 0 : i32
      %dma_start3A_82 = tpu.memref_slice %arg11[%mul3A_64, %dma_start3A] : memref<80x128xf32, #tpu.memory_space<vmem>> -> memref<5x128xf32, #tpu.memory_space<vmem>>
      %dma_start3A_83 = arith.constant 0 : i32
      %dma_start3A_84 = tpu.memref_slice %arg14[%mul3A_66, %dma_start3A_83] : memref<80x128xf32, #tpu.memory_space<vmem_shared>> -> memref<5x128xf32, #tpu.memory_space<vmem_shared>>
      %dma_start3A_85 = arith.constant 0 : i32
      %dma_start3A_86 = tpu.memref_slice %arg14[%mul3A_66, %dma_start3A_85] : memref<80x128xf32, #tpu.memory_space<vmem_shared>> -> memref<5x128xf32, #tpu.memory_space<vmem_shared>>
      %dma_start3A_87 = arith.constant 0 : i32
      %dma_start3A_88 = tpu.memref_slice %arg11[%mul3A_64, %dma_start3A_87] : memref<80x128xf32, #tpu.memory_space<vmem>> -> memref<5x128xf32, #tpu.memory_space<vmem>>
      tpu.enqueue_dma source(%dma_start3A_88 : memref<5x128xf32, #tpu.memory_space<vmem>>) target(%dma_start3A_86 : memref<5x128xf32, #tpu.memory_space<vmem_shared>>) target_semaphore(%run_scoped3A : memref<!tpu.dma_semaphore, #tpu.memory_space<semaphore_mem>>)
      %dma_wait3A = arith.constant 0 : i32
      %dma_wait3A_89 = tpu.memref_slice %arg11[%mul3A_64, %dma_wait3A] : memref<80x128xf32, #tpu.memory_space<vmem>> -> memref<5x128xf32, #tpu.memory_space<vmem>>
      %dma_wait3A_90 = arith.constant 0 : i32
      %dma_wait3A_91 = tpu.memref_slice %arg14[%mul3A_66, %dma_wait3A_90] : memref<80x128xf32, #tpu.memory_space<vmem_shared>> -> memref<5x128xf32, #tpu.memory_space<vmem_shared>>
      %dma_wait3A_92 = arith.constant 0 : i32
      %dma_wait3A_93 = tpu.memref_slice %arg14[%mul3A_66, %dma_wait3A_92] : memref<80x128xf32, #tpu.memory_space<vmem_shared>> -> memref<5x128xf32, #tpu.memory_space<vmem_shared>>
      %dma_wait3A_94 = arith.constant 0 : i32
      %dma_wait3A_95 = tpu.memref_slice %arg11[%mul3A_64, %dma_wait3A_94] : memref<80x128xf32, #tpu.memory_space<vmem>> -> memref<5x128xf32, #tpu.memory_space<vmem>>
      tpu.wait_dma2 semaphore(%run_scoped3A : memref<!tpu.dma_semaphore, #tpu.memory_space<semaphore_mem>>) src(%dma_wait3A_95 : memref<5x128xf32, #tpu.memory_space<vmem>>) dst(%dma_wait3A_93 : memref<5x128xf32, #tpu.memory_space<vmem_shared>>)
      tpu.yield
    }) : () -> ()
    %barrier3A = arith.constant 0 : index
    tpu.barrier barrier_id(%barrier3A)
    %scan3A_67 = arith.constant 0 : i32
    %scan3A_68 = arith.constant 0 : i32
    %scan3A_69 = arith.constant 4 : i32
    %scan3A_70 = arith.addi %scan3A_68, %scan3A_69 : i32
    %scan3A_71 = arith.constant 1 : i32
    scf.for %scan3A_82 = %scan3A_68 to %scan3A_70 step %scan3A_71  : i32 {
      %mul3A_83 = arith.constant 20 : i32
      %mul3A_84 = arith.muli %scan3A_82, %mul3A_83 : i32
      "tpu.region"() ({
        %run_scoped3A = tpu.sem_alloc : memref<!tpu.dma_semaphore, #tpu.memory_space<semaphore_mem>>
        %dma_start3A_99 = arith.constant 0 : i32
        %dma_start3A_100 = tpu.memref_slice %arg3[%add3A, %mul3A_84, %dma_start3A_99] : memref<32x80x128xi32, #tpu.memory_space<hbm>> -> memref<1x20x128xi32, #tpu.memory_space<hbm>>
        %dma_start3A_101 = tpu.memref_squeeze %dma_start3A_100 : memref<1x20x128xi32, #tpu.memory_space<hbm>> -> memref<20x128xi32, #tpu.memory_space<hbm>>
        %dma_start3A_102 = arith.constant 0 : i32
        %dma_start3A_103 = tpu.memref_slice %arg3[%add3A, %mul3A_84, %dma_start3A_102] : memref<32x80x128xi32, #tpu.memory_space<hbm>> -> memref<1x20x128xi32, #tpu.memory_space<hbm>>
        %dma_start3A_104 = tpu.memref_squeeze %dma_start3A_103 : memref<1x20x128xi32, #tpu.memory_space<hbm>> -> memref<20x128xi32, #tpu.memory_space<hbm>>
        tpu.enqueue_dma source(%dma_start3A_104 : memref<20x128xi32, #tpu.memory_space<hbm>>) target(%arg7 : memref<20x128xi32, #tpu.memory_space<vmem>>) target_semaphore(%run_scoped3A : memref<!tpu.dma_semaphore, #tpu.memory_space<semaphore_mem>>)
        %dma_wait3A = arith.constant 0 : i32
        %dma_wait3A_105 = tpu.memref_slice %arg3[%add3A, %mul3A_84, %dma_wait3A] : memref<32x80x128xi32, #tpu.memory_space<hbm>> -> memref<1x20x128xi32, #tpu.memory_space<hbm>>
        %dma_wait3A_106 = tpu.memref_squeeze %dma_wait3A_105 : memref<1x20x128xi32, #tpu.memory_space<hbm>> -> memref<20x128xi32, #tpu.memory_space<hbm>>
        %dma_wait3A_107 = arith.constant 0 : i32
        %dma_wait3A_108 = tpu.memref_slice %arg3[%add3A, %mul3A_84, %dma_wait3A_107] : memref<32x80x128xi32, #tpu.memory_space<hbm>> -> memref<1x20x128xi32, #tpu.memory_space<hbm>>
        %dma_wait3A_109 = tpu.memref_squeeze %dma_wait3A_108 : memref<1x20x128xi32, #tpu.memory_space<hbm>> -> memref<20x128xi32, #tpu.memory_space<hbm>>
        tpu.wait_dma2 semaphore(%run_scoped3A : memref<!tpu.dma_semaphore, #tpu.memory_space<semaphore_mem>>) src(%dma_wait3A_109 : memref<20x128xi32, #tpu.memory_space<hbm>>) dst(%arg7 : memref<20x128xi32, #tpu.memory_space<vmem>>)
        tpu.yield
      }) : () -> ()
      %mul3A_85 = arith.constant 20 : i32
      %mul3A_86 = arith.muli %scan3A_82, %mul3A_85 : i32
      "tpu.region"() ({
        %run_scoped3A = tpu.sem_alloc : memref<!tpu.dma_semaphore, #tpu.memory_space<semaphore_mem>>
        %dma_start3A_99 = arith.constant 0 : i32
        %dma_start3A_100 = tpu.memref_slice %arg4[%add3A, %mul3A_86, %dma_start3A_99] : memref<32x80x128xi32, #tpu.memory_space<hbm>> -> memref<1x20x128xi32, #tpu.memory_space<hbm>>
        %dma_start3A_101 = tpu.memref_squeeze %dma_start3A_100 : memref<1x20x128xi32, #tpu.memory_space<hbm>> -> memref<20x128xi32, #tpu.memory_space<hbm>>
        %dma_start3A_102 = arith.constant 0 : i32
        %dma_start3A_103 = tpu.memref_slice %arg4[%add3A, %mul3A_86, %dma_start3A_102] : memref<32x80x128xi32, #tpu.memory_space<hbm>> -> memref<1x20x128xi32, #tpu.memory_space<hbm>>
        %dma_start3A_104 = tpu.memref_squeeze %dma_start3A_103 : memref<1x20x128xi32, #tpu.memory_space<hbm>> -> memref<20x128xi32, #tpu.memory_space<hbm>>
        tpu.enqueue_dma source(%dma_start3A_104 : memref<20x128xi32, #tpu.memory_space<hbm>>) target(%arg8 : memref<20x128xi32, #tpu.memory_space<vmem>>) target_semaphore(%run_scoped3A : memref<!tpu.dma_semaphore, #tpu.memory_space<semaphore_mem>>)
        %dma_wait3A = arith.constant 0 : i32
        %dma_wait3A_105 = tpu.memref_slice %arg4[%add3A, %mul3A_86, %dma_wait3A] : memref<32x80x128xi32, #tpu.memory_space<hbm>> -> memref<1x20x128xi32, #tpu.memory_space<hbm>>
        %dma_wait3A_106 = tpu.memref_squeeze %dma_wait3A_105 : memref<1x20x128xi32, #tpu.memory_space<hbm>> -> memref<20x128xi32, #tpu.memory_space<hbm>>
        %dma_wait3A_107 = arith.constant 0 : i32
        %dma_wait3A_108 = tpu.memref_slice %arg4[%add3A, %mul3A_86, %dma_wait3A_107] : memref<32x80x128xi32, #tpu.memory_space<hbm>> -> memref<1x20x128xi32, #tpu.memory_space<hbm>>
        %dma_wait3A_109 = tpu.memref_squeeze %dma_wait3A_108 : memref<1x20x128xi32, #tpu.memory_space<hbm>> -> memref<20x128xi32, #tpu.memory_space<hbm>>
        tpu.wait_dma2 semaphore(%run_scoped3A : memref<!tpu.dma_semaphore, #tpu.memory_space<semaphore_mem>>) src(%dma_wait3A_109 : memref<20x128xi32, #tpu.memory_space<hbm>>) dst(%arg8 : memref<20x128xi32, #tpu.memory_space<vmem>>)
        tpu.yield
      }) : () -> ()
      %dma_start3A = arith.constant 0 : i32
      %dma_start3A_87 = arith.constant 0 : i32
      %dma_start3A_88 = tpu.memref_slice %arg7[%dma_start3A, %dma_start3A_87] : memref<20x128xi32, #tpu.memory_space<vmem>> -> memref<1x128xi32, #tpu.memory_space<vmem>>
      %dma_start3A_89 = tpu.memref_squeeze %dma_start3A_88 : memref<1x128xi32, #tpu.memory_space<vmem>> -> memref<128xi32, #tpu.memory_space<vmem>>
      %dma_start3A_90 = arith.constant 0 : i32
      %dma_start3A_91 = arith.constant 0 : i32
      %dma_start3A_92 = tpu.memref_slice %arg2[%dma_start3A_90, %dma_start3A_91] : memref<10240x128xf32, #tpu.memory_space<hbm>> -> memref<10240x128xf32, #tpu.memory_space<hbm>>
      tpu.enqueue_indirect_dma source(%dma_start3A_92 : memref<10240x128xf32, #tpu.memory_space<hbm>>) target(%arg9 : memref<128x128xf32, #tpu.memory_space<vmem>>) offsets(%dma_start3A_89 : memref<128xi32, #tpu.memory_space<vmem>>) semaphore(%arg15 : memref<!tpu.dma_semaphore, #tpu.memory_space<semaphore_mem>>)
      %scan3A_93 = arith.constant 0 : i32
      %scan3A_94 = arith.constant 0 : i32
      %scan3A_95 = arith.constant 10 : i32
      %scan3A_96 = arith.addi %scan3A_94, %scan3A_95 : i32
      %scan3A_97 = arith.constant 1 : i32
      scf.for %scan3A_99 = %scan3A_94 to %scan3A_96 step %scan3A_97  : i32 {
        %mul3A_100 = arith.constant 2 : i32
        %mul3A_101 = arith.muli %mul3A_100, %scan3A_99 : i32
        %add3A_102 = arith.constant 1 : i32
        %add3A_103 = arith.addi %mul3A_101, %add3A_102 : i32
        %dma_start3A_104 = arith.constant 0 : i32
        %dma_start3A_105 = tpu.memref_slice %arg7[%add3A_103, %dma_start3A_104] : memref<20x128xi32, #tpu.memory_space<vmem>> -> memref<1x128xi32, #tpu.memory_space<vmem>>
        %dma_start3A_106 = tpu.memref_squeeze %dma_start3A_105 : memref<1x128xi32, #tpu.memory_space<vmem>> -> memref<128xi32, #tpu.memory_space<vmem>>
        %dma_start3A_107 = arith.constant 0 : i32
        %dma_start3A_108 = arith.constant 0 : i32
        %dma_start3A_109 = tpu.memref_slice %arg2[%dma_start3A_107, %dma_start3A_108] : memref<10240x128xf32, #tpu.memory_space<hbm>> -> memref<10240x128xf32, #tpu.memory_space<hbm>>
        tpu.enqueue_indirect_dma source(%dma_start3A_109 : memref<10240x128xf32, #tpu.memory_space<hbm>>) target(%arg10 : memref<128x128xf32, #tpu.memory_space<vmem>>) offsets(%dma_start3A_106 : memref<128xi32, #tpu.memory_space<vmem>>) semaphore(%arg16 : memref<!tpu.dma_semaphore, #tpu.memory_space<semaphore_mem>>)
        %dma_wait3A = arith.constant 0 : i32
        %dma_wait3A_110 = tpu.memref_slice %arg7[%mul3A_101, %dma_wait3A] : memref<20x128xi32, #tpu.memory_space<vmem>> -> memref<1x128xi32, #tpu.memory_space<vmem>>
        %dma_wait3A_111 = tpu.memref_squeeze %dma_wait3A_110 : memref<1x128xi32, #tpu.memory_space<vmem>> -> memref<128xi32, #tpu.memory_space<vmem>>
        %dma_wait3A_112 = arith.constant 0 : i32
        %dma_wait3A_113 = arith.constant 0 : i32
        %dma_wait3A_114 = tpu.memref_slice %arg2[%dma_wait3A_112, %dma_wait3A_113] : memref<10240x128xf32, #tpu.memory_space<hbm>> -> memref<10240x128xf32, #tpu.memory_space<hbm>>
        tpu.wait_indirect_dma semaphore(%arg15 : memref<!tpu.dma_semaphore, #tpu.memory_space<semaphore_mem>>) src(%dma_wait3A_114 : memref<10240x128xf32, #tpu.memory_space<hbm>>) dst(%arg9 : memref<128x128xf32, #tpu.memory_space<vmem>>)
        "tpu.region"() ({
          %run_scoped3A = tpu.sem_alloc : memref<!tpu.dma_semaphore, #tpu.memory_space<semaphore_mem>>
          %dma_start3A_286 = arith.constant 0 : i32
          %dma_start3A_287 = tpu.memref_slice %arg8[%mul3A_101, %dma_start3A_286] : memref<20x128xi32, #tpu.memory_space<vmem>> -> memref<1x128xi32, #tpu.memory_space<vmem>>
          %dma_start3A_288 = tpu.memref_squeeze %dma_start3A_287 : memref<1x128xi32, #tpu.memory_space<vmem>> -> memref<128xi32, #tpu.memory_space<vmem>>
          %dma_start3A_289 = arith.constant 0 : i32
          %dma_start3A_290 = arith.constant 0 : i32
          %dma_start3A_291 = tpu.memref_slice %arg13[%dma_start3A_289, %dma_start3A_290] : memref<10240x128xf32, #tpu.memory_space<vmem_shared>> -> memref<10240x128xf32, #tpu.memory_space<vmem_shared>>
          tpu.enqueue_indirect_dma source(%arg9 : memref<128x128xf32, #tpu.memory_space<vmem>>) target(%dma_start3A_291 : memref<10240x128xf32, #tpu.memory_space<vmem_shared>>) offsets(%dma_start3A_288 : memref<128xi32, #tpu.memory_space<vmem>>) semaphore(%run_scoped3A : memref<!tpu.dma_semaphore, #tpu.memory_space<semaphore_mem>>) {add = true}
          %dma_wait3A_292 = arith.constant 0 : i32
          %dma_wait3A_293 = tpu.memref_slice %arg8[%mul3A_101, %dma_wait3A_292] : memref<20x128xi32, #tpu.memory_space<vmem>> -> memref<1x128xi32, #tpu.memory_space<vmem>>
          %dma_wait3A_294 = tpu.memref_squeeze %dma_wait3A_293 : memref<1x128xi32, #tpu.memory_space<vmem>> -> memref<128xi32, #tpu.memory_space<vmem>>
          %dma_wait3A_295 = arith.constant 0 : i32
          %dma_wait3A_296 = arith.constant 0 : i32
          %dma_wait3A_297 = tpu.memref_slice %arg13[%dma_wait3A_295, %dma_wait3A_296] : memref<10240x128xf32, #tpu.memory_space<vmem_shared>> -> memref<10240x128xf32, #tpu.memory_space<vmem_shared>>
          tpu.wait_indirect_dma semaphore(%run_scoped3A : memref<!tpu.dma_semaphore, #tpu.memory_space<semaphore_mem>>) src(%arg9 : memref<128x128xf32, #tpu.memory_space<vmem>>) dst(%dma_wait3A_297 : memref<10240x128xf32, #tpu.memory_space<vmem_shared>>)
          tpu.yield
        }) : () -> ()
        %add3A_115 = arith.constant 2 : i32
        %add3A_116 = arith.addi %mul3A_101, %add3A_115 : i32
        %lt3A = arith.constant 20 : i32
        %lt3A_117 = arith.cmpi slt, %add3A_116, %lt3A : i32
        %convert_element_type3A = arith.extui %lt3A_117 : i1 to i32
        %cond3A = arith.constant 0 : i32
        %cond3A_118 = arith.cmpi ne, %convert_element_type3A, %cond3A : i32
        scf.if %cond3A_118 {
          %add3A_286 = arith.constant 2 : i32
          %add3A_287 = arith.addi %mul3A_101, %add3A_286 : i32
          %dma_start3A_288 = arith.constant 0 : i32
          %dma_start3A_289 = tpu.memref_slice %arg7[%add3A_287, %dma_start3A_288] : memref<20x128xi32, #tpu.memory_space<vmem>> -> memref<1x128xi32, #tpu.memory_space<vmem>>
          %dma_start3A_290 = tpu.memref_squeeze %dma_start3A_289 : memref<1x128xi32, #tpu.memory_space<vmem>> -> memref<128xi32, #tpu.memory_space<vmem>>
          %dma_start3A_291 = arith.constant 0 : i32
          %dma_start3A_292 = arith.constant 0 : i32
          %dma_start3A_293 = tpu.memref_slice %arg2[%dma_start3A_291, %dma_start3A_292] : memref<10240x128xf32, #tpu.memory_space<hbm>> -> memref<10240x128xf32, #tpu.memory_space<hbm>>
          tpu.enqueue_indirect_dma source(%dma_start3A_293 : memref<10240x128xf32, #tpu.memory_space<hbm>>) target(%arg9 : memref<128x128xf32, #tpu.memory_space<vmem>>) offsets(%dma_start3A_290 : memref<128xi32, #tpu.memory_space<vmem>>) semaphore(%arg15 : memref<!tpu.dma_semaphore, #tpu.memory_space<semaphore_mem>>)
        } else {
        }
        %get3A = arith.index_cast %mul3A_101 : i32 to index
        %get3A_119 = arith.constant 0 : index
        %get3A_120 = tpu.vector_load %arg8[%get3A, %get3A_119] {strides = array<i32>} : memref<20x128xi32, #tpu.memory_space<vmem>>, vector<16xi32>,
        %shift_right_arithmetic3A = arith.constant 7 : i32
        %shift_right_arithmetic3A_121 = vector.broadcast %shift_right_arithmetic3A : i32 to vector<16xi32>
        %shift_right_arithmetic3A_122 = arith.shrsi %get3A_120, %shift_right_arithmetic3A_121 : vector<16xi32>
        %and3A = arith.constant 127 : i32
        %and3A_123 = vector.broadcast %and3A : i32 to vector<16xi32>
        %and3A_124 = arith.andi %get3A_120, %and3A_123 : vector<16xi32>
        tpu.vector_store_idx %arg11[%shift_right_arithmetic3A_122, %and3A_124], %broadcast_in_dim3A_3 {add = true} : memref<80x128xf32, #tpu.memory_space<vmem>>[vector<16xi32>, vector<16xi32>], vector<16xf32>,
        %get3A_125 = arith.index_cast %mul3A_101 : i32 to index
        %get3A_126 = arith.constant 16 : index
        %get3A_127 = tpu.vector_load %arg8[%get3A_125, %get3A_126] {strides = array<i32>} : memref<20x128xi32, #tpu.memory_space<vmem>>, vector<16xi32>,
        %shift_right_arithmetic3A_128 = arith.constant 7 : i32
        %shift_right_arithmetic3A_129 = vector.broadcast %shift_right_arithmetic3A_128 : i32 to vector<16xi32>
        %shift_right_arithmetic3A_130 = arith.shrsi %get3A_127, %shift_right_arithmetic3A_129 : vector<16xi32>
        %and3A_131 = arith.constant 127 : i32
        %and3A_132 = vector.broadcast %and3A_131 : i32 to vector<16xi32>
        %and3A_133 = arith.andi %get3A_127, %and3A_132 : vector<16xi32>
        tpu.vector_store_idx %arg11[%shift_right_arithmetic3A_130, %and3A_133], %broadcast_in_dim3A_3 {add = true} : memref<80x128xf32, #tpu.memory_space<vmem>>[vector<16xi32>, vector<16xi32>], vector<16xf32>,
        %get3A_134 = arith.index_cast %mul3A_101 : i32 to index
        %get3A_135 = arith.constant 32 : index
        %get3A_136 = tpu.vector_load %arg8[%get3A_134, %get3A_135] {strides = array<i32>} : memref<20x128xi32, #tpu.memory_space<vmem>>, vector<16xi32>,
        %shift_right_arithmetic3A_137 = arith.constant 7 : i32
        %shift_right_arithmetic3A_138 = vector.broadcast %shift_right_arithmetic3A_137 : i32 to vector<16xi32>
        %shift_right_arithmetic3A_139 = arith.shrsi %get3A_136, %shift_right_arithmetic3A_138 : vector<16xi32>
        %and3A_140 = arith.constant 127 : i32
        %and3A_141 = vector.broadcast %and3A_140 : i32 to vector<16xi32>
        %and3A_142 = arith.andi %get3A_136, %and3A_141 : vector<16xi32>
        tpu.vector_store_idx %arg11[%shift_right_arithmetic3A_139, %and3A_142], %broadcast_in_dim3A_3 {add = true} : memref<80x128xf32, #tpu.memory_space<vmem>>[vector<16xi32>, vector<16xi32>], vector<16xf32>,
        %get3A_143 = arith.index_cast %mul3A_101 : i32 to index
        %get3A_144 = arith.constant 48 : index
        %get3A_145 = tpu.vector_load %arg8[%get3A_143, %get3A_144] {strides = array<i32>} : memref<20x128xi32, #tpu.memory_space<vmem>>, vector<16xi32>,
        %shift_right_arithmetic3A_146 = arith.constant 7 : i32
        %shift_right_arithmetic3A_147 = vector.broadcast %shift_right_arithmetic3A_146 : i32 to vector<16xi32>
        %shift_right_arithmetic3A_148 = arith.shrsi %get3A_145, %shift_right_arithmetic3A_147 : vector<16xi32>
        %and3A_149 = arith.constant 127 : i32
        %and3A_150 = vector.broadcast %and3A_149 : i32 to vector<16xi32>
        %and3A_151 = arith.andi %get3A_145, %and3A_150 : vector<16xi32>
        tpu.vector_store_idx %arg11[%shift_right_arithmetic3A_148, %and3A_151], %broadcast_in_dim3A_3 {add = true} : memref<80x128xf32, #tpu.memory_space<vmem>>[vector<16xi32>, vector<16xi32>], vector<16xf32>,
        %get3A_152 = arith.index_cast %mul3A_101 : i32 to index
        %get3A_153 = arith.constant 64 : index
        %get3A_154 = tpu.vector_load %arg8[%get3A_152, %get3A_153] {strides = array<i32>} : memref<20x128xi32, #tpu.memory_space<vmem>>, vector<16xi32>,
        %shift_right_arithmetic3A_155 = arith.constant 7 : i32
        %shift_right_arithmetic3A_156 = vector.broadcast %shift_right_arithmetic3A_155 : i32 to vector<16xi32>
        %shift_right_arithmetic3A_157 = arith.shrsi %get3A_154, %shift_right_arithmetic3A_156 : vector<16xi32>
        %and3A_158 = arith.constant 127 : i32
        %and3A_159 = vector.broadcast %and3A_158 : i32 to vector<16xi32>
        %and3A_160 = arith.andi %get3A_154, %and3A_159 : vector<16xi32>
        tpu.vector_store_idx %arg11[%shift_right_arithmetic3A_157, %and3A_160], %broadcast_in_dim3A_3 {add = true} : memref<80x128xf32, #tpu.memory_space<vmem>>[vector<16xi32>, vector<16xi32>], vector<16xf32>,
        %get3A_161 = arith.index_cast %mul3A_101 : i32 to index
        %get3A_162 = arith.constant 80 : index
        %get3A_163 = tpu.vector_load %arg8[%get3A_161, %get3A_162] {strides = array<i32>} : memref<20x128xi32, #tpu.memory_space<vmem>>, vector<16xi32>,
        %shift_right_arithmetic3A_164 = arith.constant 7 : i32
        %shift_right_arithmetic3A_165 = vector.broadcast %shift_right_arithmetic3A_164 : i32 to vector<16xi32>
        %shift_right_arithmetic3A_166 = arith.shrsi %get3A_163, %shift_right_arithmetic3A_165 : vector<16xi32>
        %and3A_167 = arith.constant 127 : i32
        %and3A_168 = vector.broadcast %and3A_167 : i32 to vector<16xi32>
        %and3A_169 = arith.andi %get3A_163, %and3A_168 : vector<16xi32>
        tpu.vector_store_idx %arg11[%shift_right_arithmetic3A_166, %and3A_169], %broadcast_in_dim3A_3 {add = true} : memref<80x128xf32, #tpu.memory_space<vmem>>[vector<16xi32>, vector<16xi32>], vector<16xf32>,
        %get3A_170 = arith.index_cast %mul3A_101 : i32 to index
        %get3A_171 = arith.constant 96 : index
        %get3A_172 = tpu.vector_load %arg8[%get3A_170, %get3A_171] {strides = array<i32>} : memref<20x128xi32, #tpu.memory_space<vmem>>, vector<16xi32>,
        %shift_right_arithmetic3A_173 = arith.constant 7 : i32
        %shift_right_arithmetic3A_174 = vector.broadcast %shift_right_arithmetic3A_173 : i32 to vector<16xi32>
        %shift_right_arithmetic3A_175 = arith.shrsi %get3A_172, %shift_right_arithmetic3A_174 : vector<16xi32>
        %and3A_176 = arith.constant 127 : i32
        %and3A_177 = vector.broadcast %and3A_176 : i32 to vector<16xi32>
        %and3A_178 = arith.andi %get3A_172, %and3A_177 : vector<16xi32>
        tpu.vector_store_idx %arg11[%shift_right_arithmetic3A_175, %and3A_178], %broadcast_in_dim3A_3 {add = true} : memref<80x128xf32, #tpu.memory_space<vmem>>[vector<16xi32>, vector<16xi32>], vector<16xf32>,
        %get3A_179 = arith.index_cast %mul3A_101 : i32 to index
        %get3A_180 = arith.constant 112 : index
        %get3A_181 = tpu.vector_load %arg8[%get3A_179, %get3A_180] {strides = array<i32>} : memref<20x128xi32, #tpu.memory_space<vmem>>, vector<16xi32>,
        %shift_right_arithmetic3A_182 = arith.constant 7 : i32
        %shift_right_arithmetic3A_183 = vector.broadcast %shift_right_arithmetic3A_182 : i32 to vector<16xi32>
        %shift_right_arithmetic3A_184 = arith.shrsi %get3A_181, %shift_right_arithmetic3A_183 : vector<16xi32>
        %and3A_185 = arith.constant 127 : i32
        %and3A_186 = vector.broadcast %and3A_185 : i32 to vector<16xi32>
        %and3A_187 = arith.andi %get3A_181, %and3A_186 : vector<16xi32>
        tpu.vector_store_idx %arg11[%shift_right_arithmetic3A_184, %and3A_187], %broadcast_in_dim3A_3 {add = true} : memref<80x128xf32, #tpu.memory_space<vmem>>[vector<16xi32>, vector<16xi32>], vector<16xf32>,
        %add3A_188 = arith.constant 1 : i32
        %add3A_189 = arith.addi %mul3A_101, %add3A_188 : i32
        %dma_wait3A_190 = arith.constant 0 : i32
        %dma_wait3A_191 = tpu.memref_slice %arg7[%add3A_189, %dma_wait3A_190] : memref<20x128xi32, #tpu.memory_space<vmem>> -> memref<1x128xi32, #tpu.memory_space<vmem>>
        %dma_wait3A_192 = tpu.memref_squeeze %dma_wait3A_191 : memref<1x128xi32, #tpu.memory_space<vmem>> -> memref<128xi32, #tpu.memory_space<vmem>>
        %dma_wait3A_193 = arith.constant 0 : i32
        %dma_wait3A_194 = arith.constant 0 : i32
        %dma_wait3A_195 = tpu.memref_slice %arg2[%dma_wait3A_193, %dma_wait3A_194] : memref<10240x128xf32, #tpu.memory_space<hbm>> -> memref<10240x128xf32, #tpu.memory_space<hbm>>
        tpu.wait_indirect_dma semaphore(%arg16 : memref<!tpu.dma_semaphore, #tpu.memory_space<semaphore_mem>>) src(%dma_wait3A_195 : memref<10240x128xf32, #tpu.memory_space<hbm>>) dst(%arg10 : memref<128x128xf32, #tpu.memory_space<vmem>>)
        %add3A_196 = arith.constant 1 : i32
        %add3A_197 = arith.addi %mul3A_101, %add3A_196 : i32
        "tpu.region"() ({
          %run_scoped3A = tpu.sem_alloc : memref<!tpu.dma_semaphore, #tpu.memory_space<semaphore_mem>>
          %dma_start3A_286 = arith.constant 0 : i32
          %dma_start3A_287 = tpu.memref_slice %arg8[%add3A_197, %dma_start3A_286] : memref<20x128xi32, #tpu.memory_space<vmem>> -> memref<1x128xi32, #tpu.memory_space<vmem>>
          %dma_start3A_288 = tpu.memref_squeeze %dma_start3A_287 : memref<1x128xi32, #tpu.memory_space<vmem>> -> memref<128xi32, #tpu.memory_space<vmem>>
          %dma_start3A_289 = arith.constant 0 : i32
          %dma_start3A_290 = arith.constant 0 : i32
          %dma_start3A_291 = tpu.memref_slice %arg13[%dma_start3A_289, %dma_start3A_290] : memref<10240x128xf32, #tpu.memory_space<vmem_shared>> -> memref<10240x128xf32, #tpu.memory_space<vmem_shared>>
          tpu.enqueue_indirect_dma source(%arg10 : memref<128x128xf32, #tpu.memory_space<vmem>>) target(%dma_start3A_291 : memref<10240x128xf32, #tpu.memory_space<vmem_shared>>) offsets(%dma_start3A_288 : memref<128xi32, #tpu.memory_space<vmem>>) semaphore(%run_scoped3A : memref<!tpu.dma_semaphore, #tpu.memory_space<semaphore_mem>>) {add = true}
          %dma_wait3A_292 = arith.constant 0 : i32
          %dma_wait3A_293 = tpu.memref_slice %arg8[%add3A_197, %dma_wait3A_292] : memref<20x128xi32, #tpu.memory_space<vmem>> -> memref<1x128xi32, #tpu.memory_space<vmem>>
          %dma_wait3A_294 = tpu.memref_squeeze %dma_wait3A_293 : memref<1x128xi32, #tpu.memory_space<vmem>> -> memref<128xi32, #tpu.memory_space<vmem>>
          %dma_wait3A_295 = arith.constant 0 : i32
          %dma_wait3A_296 = arith.constant 0 : i32
          %dma_wait3A_297 = tpu.memref_slice %arg13[%dma_wait3A_295, %dma_wait3A_296] : memref<10240x128xf32, #tpu.memory_space<vmem_shared>> -> memref<10240x128xf32, #tpu.memory_space<vmem_shared>>
          tpu.wait_indirect_dma semaphore(%run_scoped3A : memref<!tpu.dma_semaphore, #tpu.memory_space<semaphore_mem>>) src(%arg10 : memref<128x128xf32, #tpu.memory_space<vmem>>) dst(%dma_wait3A_297 : memref<10240x128xf32, #tpu.memory_space<vmem_shared>>)
          tpu.yield
        }) : () -> ()
        %add3A_198 = arith.constant 1 : i32
        %add3A_199 = arith.addi %mul3A_101, %add3A_198 : i32
        %get3A_200 = arith.index_cast %add3A_199 : i32 to index
        %get3A_201 = arith.constant 0 : index
        %get3A_202 = tpu.vector_load %arg8[%get3A_200, %get3A_201] {strides = array<i32>} : memref<20x128xi32, #tpu.memory_space<vmem>>, vector<16xi32>,
        %shift_right_arithmetic3A_203 = arith.constant 7 : i32
        %shift_right_arithmetic3A_204 = vector.broadcast %shift_right_arithmetic3A_203 : i32 to vector<16xi32>
        %shift_right_arithmetic3A_205 = arith.shrsi %get3A_202, %shift_right_arithmetic3A_204 : vector<16xi32>
        %and3A_206 = arith.constant 127 : i32
        %and3A_207 = vector.broadcast %and3A_206 : i32 to vector<16xi32>
        %and3A_208 = arith.andi %get3A_202, %and3A_207 : vector<16xi32>
        tpu.vector_store_idx %arg11[%shift_right_arithmetic3A_205, %and3A_208], %broadcast_in_dim3A_3 {add = true} : memref<80x128xf32, #tpu.memory_space<vmem>>[vector<16xi32>, vector<16xi32>], vector<16xf32>,
        %add3A_209 = arith.constant 1 : i32
        %add3A_210 = arith.addi %mul3A_101, %add3A_209 : i32
        %get3A_211 = arith.index_cast %add3A_210 : i32 to index
        %get3A_212 = arith.constant 16 : index
        %get3A_213 = tpu.vector_load %arg8[%get3A_211, %get3A_212] {strides = array<i32>} : memref<20x128xi32, #tpu.memory_space<vmem>>, vector<16xi32>,
        %shift_right_arithmetic3A_214 = arith.constant 7 : i32
        %shift_right_arithmetic3A_215 = vector.broadcast %shift_right_arithmetic3A_214 : i32 to vector<16xi32>
        %shift_right_arithmetic3A_216 = arith.shrsi %get3A_213, %shift_right_arithmetic3A_215 : vector<16xi32>
        %and3A_217 = arith.constant 127 : i32
        %and3A_218 = vector.broadcast %and3A_217 : i32 to vector<16xi32>
        %and3A_219 = arith.andi %get3A_213, %and3A_218 : vector<16xi32>
        tpu.vector_store_idx %arg11[%shift_right_arithmetic3A_216, %and3A_219], %broadcast_in_dim3A_3 {add = true} : memref<80x128xf32, #tpu.memory_space<vmem>>[vector<16xi32>, vector<16xi32>], vector<16xf32>,
        %add3A_220 = arith.constant 1 : i32
        %add3A_221 = arith.addi %mul3A_101, %add3A_220 : i32
        %get3A_222 = arith.index_cast %add3A_221 : i32 to index
        %get3A_223 = arith.constant 32 : index
        %get3A_224 = tpu.vector_load %arg8[%get3A_222, %get3A_223] {strides = array<i32>} : memref<20x128xi32, #tpu.memory_space<vmem>>, vector<16xi32>,
        %shift_right_arithmetic3A_225 = arith.constant 7 : i32
        %shift_right_arithmetic3A_226 = vector.broadcast %shift_right_arithmetic3A_225 : i32 to vector<16xi32>
        %shift_right_arithmetic3A_227 = arith.shrsi %get3A_224, %shift_right_arithmetic3A_226 : vector<16xi32>
        %and3A_228 = arith.constant 127 : i32
        %and3A_229 = vector.broadcast %and3A_228 : i32 to vector<16xi32>
        %and3A_230 = arith.andi %get3A_224, %and3A_229 : vector<16xi32>
        tpu.vector_store_idx %arg11[%shift_right_arithmetic3A_227, %and3A_230], %broadcast_in_dim3A_3 {add = true} : memref<80x128xf32, #tpu.memory_space<vmem>>[vector<16xi32>, vector<16xi32>], vector<16xf32>,
        %add3A_231 = arith.constant 1 : i32
        %add3A_232 = arith.addi %mul3A_101, %add3A_231 : i32
        %get3A_233 = arith.index_cast %add3A_232 : i32 to index
        %get3A_234 = arith.constant 48 : index
        %get3A_235 = tpu.vector_load %arg8[%get3A_233, %get3A_234] {strides = array<i32>} : memref<20x128xi32, #tpu.memory_space<vmem>>, vector<16xi32>,
        %shift_right_arithmetic3A_236 = arith.constant 7 : i32
        %shift_right_arithmetic3A_237 = vector.broadcast %shift_right_arithmetic3A_236 : i32 to vector<16xi32>
        %shift_right_arithmetic3A_238 = arith.shrsi %get3A_235, %shift_right_arithmetic3A_237 : vector<16xi32>
        %and3A_239 = arith.constant 127 : i32
        %and3A_240 = vector.broadcast %and3A_239 : i32 to vector<16xi32>
        %and3A_241 = arith.andi %get3A_235, %and3A_240 : vector<16xi32>
        tpu.vector_store_idx %arg11[%shift_right_arithmetic3A_238, %and3A_241], %broadcast_in_dim3A_3 {add = true} : memref<80x128xf32, #tpu.memory_space<vmem>>[vector<16xi32>, vector<16xi32>], vector<16xf32>,
        %add3A_242 = arith.constant 1 : i32
        %add3A_243 = arith.addi %mul3A_101, %add3A_242 : i32
        %get3A_244 = arith.index_cast %add3A_243 : i32 to index
        %get3A_245 = arith.constant 64 : index
        %get3A_246 = tpu.vector_load %arg8[%get3A_244, %get3A_245] {strides = array<i32>} : memref<20x128xi32, #tpu.memory_space<vmem>>, vector<16xi32>,
        %shift_right_arithmetic3A_247 = arith.constant 7 : i32
        %shift_right_arithmetic3A_248 = vector.broadcast %shift_right_arithmetic3A_247 : i32 to vector<16xi32>
        %shift_right_arithmetic3A_249 = arith.shrsi %get3A_246, %shift_right_arithmetic3A_248 : vector<16xi32>
        %and3A_250 = arith.constant 127 : i32
        %and3A_251 = vector.broadcast %and3A_250 : i32 to vector<16xi32>
        %and3A_252 = arith.andi %get3A_246, %and3A_251 : vector<16xi32>
        tpu.vector_store_idx %arg11[%shift_right_arithmetic3A_249, %and3A_252], %broadcast_in_dim3A_3 {add = true} : memref<80x128xf32, #tpu.memory_space<vmem>>[vector<16xi32>, vector<16xi32>], vector<16xf32>,
        %add3A_253 = arith.constant 1 : i32
        %add3A_254 = arith.addi %mul3A_101, %add3A_253 : i32
        %get3A_255 = arith.index_cast %add3A_254 : i32 to index
        %get3A_256 = arith.constant 80 : index
        %get3A_257 = tpu.vector_load %arg8[%get3A_255, %get3A_256] {strides = array<i32>} : memref<20x128xi32, #tpu.memory_space<vmem>>, vector<16xi32>,
        %shift_right_arithmetic3A_258 = arith.constant 7 : i32
        %shift_right_arithmetic3A_259 = vector.broadcast %shift_right_arithmetic3A_258 : i32 to vector<16xi32>
        %shift_right_arithmetic3A_260 = arith.shrsi %get3A_257, %shift_right_arithmetic3A_259 : vector<16xi32>
        %and3A_261 = arith.constant 127 : i32
        %and3A_262 = vector.broadcast %and3A_261 : i32 to vector<16xi32>
        %and3A_263 = arith.andi %get3A_257, %and3A_262 : vector<16xi32>
        tpu.vector_store_idx %arg11[%shift_right_arithmetic3A_260, %and3A_263], %broadcast_in_dim3A_3 {add = true} : memref<80x128xf32, #tpu.memory_space<vmem>>[vector<16xi32>, vector<16xi32>], vector<16xf32>,
        %add3A_264 = arith.constant 1 : i32
        %add3A_265 = arith.addi %mul3A_101, %add3A_264 : i32
        %get3A_266 = arith.index_cast %add3A_265 : i32 to index
        %get3A_267 = arith.constant 96 : index
        %get3A_268 = tpu.vector_load %arg8[%get3A_266, %get3A_267] {strides = array<i32>} : memref<20x128xi32, #tpu.memory_space<vmem>>, vector<16xi32>,
        %shift_right_arithmetic3A_269 = arith.constant 7 : i32
        %shift_right_arithmetic3A_270 = vector.broadcast %shift_right_arithmetic3A_269 : i32 to vector<16xi32>
        %shift_right_arithmetic3A_271 = arith.shrsi %get3A_268, %shift_right_arithmetic3A_270 : vector<16xi32>
        %and3A_272 = arith.constant 127 : i32
        %and3A_273 = vector.broadcast %and3A_272 : i32 to vector<16xi32>
        %and3A_274 = arith.andi %get3A_268, %and3A_273 : vector<16xi32>
        tpu.vector_store_idx %arg11[%shift_right_arithmetic3A_271, %and3A_274], %broadcast_in_dim3A_3 {add = true} : memref<80x128xf32, #tpu.memory_space<vmem>>[vector<16xi32>, vector<16xi32>], vector<16xf32>,
        %add3A_275 = arith.constant 1 : i32
        %add3A_276 = arith.addi %mul3A_101, %add3A_275 : i32
        %get3A_277 = arith.index_cast %add3A_276 : i32 to index
        %get3A_278 = arith.constant 112 : index
        %get3A_279 = tpu.vector_load %arg8[%get3A_277, %get3A_278] {strides = array<i32>} : memref<20x128xi32, #tpu.memory_space<vmem>>, vector<16xi32>,
        %shift_right_arithmetic3A_280 = arith.constant 7 : i32
        %shift_right_arithmetic3A_281 = vector.broadcast %shift_right_arithmetic3A_280 : i32 to vector<16xi32>
        %shift_right_arithmetic3A_282 = arith.shrsi %get3A_279, %shift_right_arithmetic3A_281 : vector<16xi32>
        %and3A_283 = arith.constant 127 : i32
        %and3A_284 = vector.broadcast %and3A_283 : i32 to vector<16xi32>
        %and3A_285 = arith.andi %get3A_279, %and3A_284 : vector<16xi32>
        tpu.vector_store_idx %arg11[%shift_right_arithmetic3A_282, %and3A_285], %broadcast_in_dim3A_3 {add = true} : memref<80x128xf32, #tpu.memory_space<vmem>>[vector<16xi32>, vector<16xi32>], vector<16xf32>,
      }
      %scan3A_98 = arith.constant 10 : i32
    }
    %scan3A_72 = arith.constant 4 : i32
    "tpu.region"() ({
      %run_scoped3A = tpu.sem_alloc : memref<!tpu.dma_semaphore, #tpu.memory_space<semaphore_mem>>
      %dma_start3A = arith.constant 0 : i32
      %dma_start3A_82 = arith.constant 0 : i32
      %dma_start3A_83 = tpu.memref_slice %arg14[%dma_start3A, %dma_start3A_82] : memref<80x128xf32, #tpu.memory_space<vmem_shared>> -> memref<80x128xf32, #tpu.memory_space<vmem_shared>>
      tpu.enqueue_indirect_dma source(%arg11 : memref<80x128xf32, #tpu.memory_space<vmem>>) target(%dma_start3A_83 : memref<80x128xf32, #tpu.memory_space<vmem_shared>>) offsets(%arg12 : memref<80xi32, #tpu.memory_space<vmem>>) semaphore(%run_scoped3A : memref<!tpu.dma_semaphore, #tpu.memory_space<semaphore_mem>>) {add = true}
      %dma_wait3A = arith.constant 0 : i32
      %dma_wait3A_84 = arith.constant 0 : i32
      %dma_wait3A_85 = tpu.memref_slice %arg14[%dma_wait3A, %dma_wait3A_84] : memref<80x128xf32, #tpu.memory_space<vmem_shared>> -> memref<80x128xf32, #tpu.memory_space<vmem_shared>>
      tpu.wait_indirect_dma semaphore(%run_scoped3A : memref<!tpu.dma_semaphore, #tpu.memory_space<semaphore_mem>>) src(%arg11 : memref<80x128xf32, #tpu.memory_space<vmem>>) dst(%dma_wait3A_85 : memref<80x128xf32, #tpu.memory_space<vmem_shared>>)
      tpu.yield
    }) : () -> ()
    %barrier3A_73 = arith.constant 0 : index
    tpu.barrier barrier_id(%barrier3A_73)
    %mul3A_74 = arith.constant 640 : i32
    %mul3A_75 = arith.muli %arg1, %mul3A_74 : i32
    %mul3A_76 = arith.constant 640 : i32
    %mul3A_77 = arith.muli %arg1, %mul3A_76 : i32
    "tpu.region"() ({
      %run_scoped3A = tpu.sem_alloc : memref<!tpu.dma_semaphore, #tpu.memory_space<semaphore_mem>>
      %dma_start3A = arith.constant 0 : i32
      %dma_start3A_82 = tpu.memref_slice %arg5[%arg0, %mul3A_77, %dma_start3A] : memref<2x10240x128xf32, #tpu.memory_space<hbm>> -> memref<1x640x128xf32, #tpu.memory_space<hbm>>
      %dma_start3A_83 = tpu.memref_squeeze %dma_start3A_82 : memref<1x640x128xf32, #tpu.memory_space<hbm>> -> memref<640x128xf32, #tpu.memory_space<hbm>>
      %dma_start3A_84 = arith.constant 0 : i32
      %dma_start3A_85 = tpu.memref_slice %arg13[%mul3A_75, %dma_start3A_84] : memref<10240x128xf32, #tpu.memory_space<vmem_shared>> -> memref<640x128xf32, #tpu.memory_space<vmem_shared>>
      tpu.enqueue_dma source(%dma_start3A_85 : memref<640x128xf32, #tpu.memory_space<vmem_shared>>) target(%dma_start3A_83 : memref<640x128xf32, #tpu.memory_space<hbm>>) target_semaphore(%run_scoped3A : memref<!tpu.dma_semaphore, #tpu.memory_space<semaphore_mem>>)
      %dma_wait3A = arith.constant 0 : i32
      %dma_wait3A_86 = tpu.memref_slice %arg5[%arg0, %mul3A_77, %dma_wait3A] : memref<2x10240x128xf32, #tpu.memory_space<hbm>> -> memref<1x640x128xf32, #tpu.memory_space<hbm>>
      %dma_wait3A_87 = tpu.memref_squeeze %dma_wait3A_86 : memref<1x640x128xf32, #tpu.memory_space<hbm>> -> memref<640x128xf32, #tpu.memory_space<hbm>>
      %dma_wait3A_88 = arith.constant 0 : i32
      %dma_wait3A_89 = tpu.memref_slice %arg13[%mul3A_75, %dma_wait3A_88] : memref<10240x128xf32, #tpu.memory_space<vmem_shared>> -> memref<640x128xf32, #tpu.memory_space<vmem_shared>>
      tpu.wait_dma2 semaphore(%run_scoped3A : memref<!tpu.dma_semaphore, #tpu.memory_space<semaphore_mem>>) src(%dma_wait3A_89 : memref<640x128xf32, #tpu.memory_space<vmem_shared>>) dst(%dma_wait3A_87 : memref<640x128xf32, #tpu.memory_space<hbm>>)
      tpu.yield
    }) : () -> ()
    %mul3A_78 = arith.constant 5 : i32
    %mul3A_79 = arith.muli %arg1, %mul3A_78 : i32
    %mul3A_80 = arith.constant 5 : i32
    %mul3A_81 = arith.muli %arg1, %mul3A_80 : i32
    "tpu.region"() ({
      %run_scoped3A = tpu.sem_alloc : memref<!tpu.dma_semaphore, #tpu.memory_space<semaphore_mem>>
      %dma_start3A = arith.constant 0 : i32
      %dma_start3A_82 = tpu.memref_slice %arg6[%arg0, %mul3A_81, %dma_start3A] : memref<2x80x128xf32, #tpu.memory_space<hbm>> -> memref<1x5x128xf32, #tpu.memory_space<hbm>>
      %dma_start3A_83 = tpu.memref_squeeze %dma_start3A_82 : memref<1x5x128xf32, #tpu.memory_space<hbm>> -> memref<5x128xf32, #tpu.memory_space<hbm>>
      %dma_start3A_84 = arith.constant 0 : i32
      %dma_start3A_85 = tpu.memref_slice %arg14[%mul3A_79, %dma_start3A_84] : memref<80x128xf32, #tpu.memory_space<vmem_shared>> -> memref<5x128xf32, #tpu.memory_space<vmem_shared>>
      tpu.enqueue_dma source(%dma_start3A_85 : memref<5x128xf32, #tpu.memory_space<vmem_shared>>) target(%dma_start3A_83 : memref<5x128xf32, #tpu.memory_space<hbm>>) target_semaphore(%run_scoped3A : memref<!tpu.dma_semaphore, #tpu.memory_space<semaphore_mem>>)
      %dma_wait3A = arith.constant 0 : i32
      %dma_wait3A_86 = tpu.memref_slice %arg6[%arg0, %mul3A_81, %dma_wait3A] : memref<2x80x128xf32, #tpu.memory_space<hbm>> -> memref<1x5x128xf32, #tpu.memory_space<hbm>>
      %dma_wait3A_87 = tpu.memref_squeeze %dma_wait3A_86 : memref<1x5x128xf32, #tpu.memory_space<hbm>> -> memref<5x128xf32, #tpu.memory_space<hbm>>
      %dma_wait3A_88 = arith.constant 0 : i32
      %dma_wait3A_89 = tpu.memref_slice %arg14[%mul3A_79, %dma_wait3A_88] : memref<80x128xf32, #tpu.memory_space<vmem_shared>> -> memref<5x128xf32, #tpu.memory_space<vmem_shared>>
      tpu.wait_dma2 semaphore(%run_scoped3A : memref<!tpu.dma_semaphore, #tpu.memory_space<semaphore_mem>>) src(%dma_wait3A_89 : memref<5x128xf32, #tpu.memory_space<vmem_shared>>) dst(%dma_wait3A_87 : memref<5x128xf32, #tpu.memory_space<hbm>>)
      tpu.yield
    }) : () -> ()
    return
  }
}

#map = affine_map<(d0, d1) -> (0)>
#map1 = affine_map<(d0, d1) -> (0, 0, 0)>
module attributes {stable_mosaic.version = 14 : i64} {
  func.func @sc_scalar_agg(%arg0: i32, %arg1: i32, %arg2: memref<10240xf32, #tpu.memory_space<hbm>>, %arg3: memref<32x80x128xi32, #tpu.memory_space<hbm>>, %arg4: memref<32x80x128xi32, #tpu.memory_space<hbm>>, %arg5: memref<2x80x128xf32, #tpu.memory_space<hbm>>, %arg6: memref<80x128xi32, #tpu.memory_space<vmem>>, %arg7: memref<80x128xi32, #tpu.memory_space<vmem>>, %arg8: memref<10240xf32, #tpu.memory_space<vmem>>, %arg9: memref<80x128xf32, #tpu.memory_space<vmem>>, %arg10: memref<80xi32, #tpu.memory_space<vmem>>, %arg11: memref<80x128xf32, #tpu.memory_space<vmem_shared>>) attributes {dimension_semantics = [#tpu.dimension_semantics<core_parallel>, #tpu.dimension_semantics<subcore_parallel>], iteration_bounds = array<i64: 2, 16>, scalar_prefetch = 0 : i64, scratch_operands = 6 : i64, tpu.core_type = #tpu.core_type<sc_vector_subcore>, window_params = [{transform_indices = #map}, {transform_indices = #map1}, {transform_indices = #map1}, {transform_indices = #map1}]} {
    %mul3A = arith.constant 2 : i32
    %mul3A_0 = arith.muli %arg1, %mul3A : i32
    %add3A = arith.addi %mul3A_0, %arg0 : i32
    "tpu.region"() ({
      %run_scoped3A = tpu.sem_alloc : memref<!tpu.dma_semaphore, #tpu.memory_space<semaphore_mem>>
      %dma_start3A = arith.constant 0 : i32
      %dma_start3A_50 = arith.constant 0 : i32
      %dma_start3A_51 = tpu.memref_slice %arg3[%add3A, %dma_start3A, %dma_start3A_50] : memref<32x80x128xi32, #tpu.memory_space<hbm>> -> memref<1x80x128xi32, #tpu.memory_space<hbm>>
      %dma_start3A_52 = tpu.memref_squeeze %dma_start3A_51 : memref<1x80x128xi32, #tpu.memory_space<hbm>> -> memref<80x128xi32, #tpu.memory_space<hbm>>
      %dma_start3A_53 = arith.constant 0 : i32
      %dma_start3A_54 = arith.constant 0 : i32
      %dma_start3A_55 = tpu.memref_slice %arg3[%add3A, %dma_start3A_53, %dma_start3A_54] : memref<32x80x128xi32, #tpu.memory_space<hbm>> -> memref<1x80x128xi32, #tpu.memory_space<hbm>>
      %dma_start3A_56 = tpu.memref_squeeze %dma_start3A_55 : memref<1x80x128xi32, #tpu.memory_space<hbm>> -> memref<80x128xi32, #tpu.memory_space<hbm>>
      tpu.enqueue_dma source(%dma_start3A_56 : memref<80x128xi32, #tpu.memory_space<hbm>>) target(%arg6 : memref<80x128xi32, #tpu.memory_space<vmem>>) target_semaphore(%run_scoped3A : memref<!tpu.dma_semaphore, #tpu.memory_space<semaphore_mem>>)
      %dma_wait3A = arith.constant 0 : i32
      %dma_wait3A_57 = arith.constant 0 : i32
      %dma_wait3A_58 = tpu.memref_slice %arg3[%add3A, %dma_wait3A, %dma_wait3A_57] : memref<32x80x128xi32, #tpu.memory_space<hbm>> -> memref<1x80x128xi32, #tpu.memory_space<hbm>>
      %dma_wait3A_59 = tpu.memref_squeeze %dma_wait3A_58 : memref<1x80x128xi32, #tpu.memory_space<hbm>> -> memref<80x128xi32, #tpu.memory_space<hbm>>
      %dma_wait3A_60 = arith.constant 0 : i32
      %dma_wait3A_61 = arith.constant 0 : i32
      %dma_wait3A_62 = tpu.memref_slice %arg3[%add3A, %dma_wait3A_60, %dma_wait3A_61] : memref<32x80x128xi32, #tpu.memory_space<hbm>> -> memref<1x80x128xi32, #tpu.memory_space<hbm>>
      %dma_wait3A_63 = tpu.memref_squeeze %dma_wait3A_62 : memref<1x80x128xi32, #tpu.memory_space<hbm>> -> memref<80x128xi32, #tpu.memory_space<hbm>>
      tpu.wait_dma2 semaphore(%run_scoped3A : memref<!tpu.dma_semaphore, #tpu.memory_space<semaphore_mem>>) src(%dma_wait3A_63 : memref<80x128xi32, #tpu.memory_space<hbm>>) dst(%arg6 : memref<80x128xi32, #tpu.memory_space<vmem>>)
      tpu.yield
    }) : () -> ()
    "tpu.region"() ({
      %run_scoped3A = tpu.sem_alloc : memref<!tpu.dma_semaphore, #tpu.memory_space<semaphore_mem>>
      %dma_start3A = arith.constant 0 : i32
      %dma_start3A_50 = arith.constant 0 : i32
      %dma_start3A_51 = tpu.memref_slice %arg4[%add3A, %dma_start3A, %dma_start3A_50] : memref<32x80x128xi32, #tpu.memory_space<hbm>> -> memref<1x80x128xi32, #tpu.memory_space<hbm>>
      %dma_start3A_52 = tpu.memref_squeeze %dma_start3A_51 : memref<1x80x128xi32, #tpu.memory_space<hbm>> -> memref<80x128xi32, #tpu.memory_space<hbm>>
      %dma_start3A_53 = arith.constant 0 : i32
      %dma_start3A_54 = arith.constant 0 : i32
      %dma_start3A_55 = tpu.memref_slice %arg4[%add3A, %dma_start3A_53, %dma_start3A_54] : memref<32x80x128xi32, #tpu.memory_space<hbm>> -> memref<1x80x128xi32, #tpu.memory_space<hbm>>
      %dma_start3A_56 = tpu.memref_squeeze %dma_start3A_55 : memref<1x80x128xi32, #tpu.memory_space<hbm>> -> memref<80x128xi32, #tpu.memory_space<hbm>>
      tpu.enqueue_dma source(%dma_start3A_56 : memref<80x128xi32, #tpu.memory_space<hbm>>) target(%arg7 : memref<80x128xi32, #tpu.memory_space<vmem>>) target_semaphore(%run_scoped3A : memref<!tpu.dma_semaphore, #tpu.memory_space<semaphore_mem>>)
      %dma_wait3A = arith.constant 0 : i32
      %dma_wait3A_57 = arith.constant 0 : i32
      %dma_wait3A_58 = tpu.memref_slice %arg4[%add3A, %dma_wait3A, %dma_wait3A_57] : memref<32x80x128xi32, #tpu.memory_space<hbm>> -> memref<1x80x128xi32, #tpu.memory_space<hbm>>
      %dma_wait3A_59 = tpu.memref_squeeze %dma_wait3A_58 : memref<1x80x128xi32, #tpu.memory_space<hbm>> -> memref<80x128xi32, #tpu.memory_space<hbm>>
      %dma_wait3A_60 = arith.constant 0 : i32
      %dma_wait3A_61 = arith.constant 0 : i32
      %dma_wait3A_62 = tpu.memref_slice %arg4[%add3A, %dma_wait3A_60, %dma_wait3A_61] : memref<32x80x128xi32, #tpu.memory_space<hbm>> -> memref<1x80x128xi32, #tpu.memory_space<hbm>>
      %dma_wait3A_63 = tpu.memref_squeeze %dma_wait3A_62 : memref<1x80x128xi32, #tpu.memory_space<hbm>> -> memref<80x128xi32, #tpu.memory_space<hbm>>
      tpu.wait_dma2 semaphore(%run_scoped3A : memref<!tpu.dma_semaphore, #tpu.memory_space<semaphore_mem>>) src(%dma_wait3A_63 : memref<80x128xi32, #tpu.memory_space<hbm>>) dst(%arg7 : memref<80x128xi32, #tpu.memory_space<vmem>>)
      tpu.yield
    }) : () -> ()
    "tpu.region"() ({
      %run_scoped3A = tpu.sem_alloc : memref<!tpu.dma_semaphore, #tpu.memory_space<semaphore_mem>>
      tpu.enqueue_dma source(%arg2 : memref<10240xf32, #tpu.memory_space<hbm>>) target(%arg8 : memref<10240xf32, #tpu.memory_space<vmem>>) target_semaphore(%run_scoped3A : memref<!tpu.dma_semaphore, #tpu.memory_space<semaphore_mem>>)
      tpu.wait_dma2 semaphore(%run_scoped3A : memref<!tpu.dma_semaphore, #tpu.memory_space<semaphore_mem>>) src(%arg2 : memref<10240xf32, #tpu.memory_space<hbm>>) dst(%arg8 : memref<10240xf32, #tpu.memory_space<vmem>>)
      tpu.yield
    }) : () -> ()
    %broadcast_in_dim3A = arith.constant 0.000000e+00 : f32
    %broadcast_in_dim3A_1 = vector.broadcast %broadcast_in_dim3A : f32 to vector<16xf32>
    %scan3A = arith.constant 0 : i32
    %scan3A_2 = arith.constant 0 : i32
    %scan3A_3 = arith.constant 80 : i32
    %scan3A_4 = arith.addi %scan3A_2, %scan3A_3 : i32
    %scan3A_5 = arith.constant 1 : i32
    scf.for %scan3A_50 = %scan3A_2 to %scan3A_4 step %scan3A_5  : i32 {
      %swap3A_51 = arith.index_cast %scan3A_50 : i32 to index
      %swap3A_52 = arith.constant 0 : index
      %swap3A_53 = tpu.vector_load %arg9[%swap3A_51, %swap3A_52] {strides = array<i32>} : memref<80x128xf32, #tpu.memory_space<vmem>>, vector<16xf32>,
      tpu.vector_store %arg9[%swap3A_51, %swap3A_52], %broadcast_in_dim3A_1 {strides = array<i32>} : memref<80x128xf32, #tpu.memory_space<vmem>>, vector<16xf32>,
      %swap3A_54 = arith.index_cast %scan3A_50 : i32 to index
      %swap3A_55 = arith.constant 16 : index
      %swap3A_56 = tpu.vector_load %arg9[%swap3A_54, %swap3A_55] {strides = array<i32>} : memref<80x128xf32, #tpu.memory_space<vmem>>, vector<16xf32>,
      tpu.vector_store %arg9[%swap3A_54, %swap3A_55], %broadcast_in_dim3A_1 {strides = array<i32>} : memref<80x128xf32, #tpu.memory_space<vmem>>, vector<16xf32>,
      %swap3A_57 = arith.index_cast %scan3A_50 : i32 to index
      %swap3A_58 = arith.constant 32 : index
      %swap3A_59 = tpu.vector_load %arg9[%swap3A_57, %swap3A_58] {strides = array<i32>} : memref<80x128xf32, #tpu.memory_space<vmem>>, vector<16xf32>,
      tpu.vector_store %arg9[%swap3A_57, %swap3A_58], %broadcast_in_dim3A_1 {strides = array<i32>} : memref<80x128xf32, #tpu.memory_space<vmem>>, vector<16xf32>,
      %swap3A_60 = arith.index_cast %scan3A_50 : i32 to index
      %swap3A_61 = arith.constant 48 : index
      %swap3A_62 = tpu.vector_load %arg9[%swap3A_60, %swap3A_61] {strides = array<i32>} : memref<80x128xf32, #tpu.memory_space<vmem>>, vector<16xf32>,
      tpu.vector_store %arg9[%swap3A_60, %swap3A_61], %broadcast_in_dim3A_1 {strides = array<i32>} : memref<80x128xf32, #tpu.memory_space<vmem>>, vector<16xf32>,
      %swap3A_63 = arith.index_cast %scan3A_50 : i32 to index
      %swap3A_64 = arith.constant 64 : index
      %swap3A_65 = tpu.vector_load %arg9[%swap3A_63, %swap3A_64] {strides = array<i32>} : memref<80x128xf32, #tpu.memory_space<vmem>>, vector<16xf32>,
      tpu.vector_store %arg9[%swap3A_63, %swap3A_64], %broadcast_in_dim3A_1 {strides = array<i32>} : memref<80x128xf32, #tpu.memory_space<vmem>>, vector<16xf32>,
      %swap3A_66 = arith.index_cast %scan3A_50 : i32 to index
      %swap3A_67 = arith.constant 80 : index
      %swap3A_68 = tpu.vector_load %arg9[%swap3A_66, %swap3A_67] {strides = array<i32>} : memref<80x128xf32, #tpu.memory_space<vmem>>, vector<16xf32>,
      tpu.vector_store %arg9[%swap3A_66, %swap3A_67], %broadcast_in_dim3A_1 {strides = array<i32>} : memref<80x128xf32, #tpu.memory_space<vmem>>, vector<16xf32>,
      %swap3A_69 = arith.index_cast %scan3A_50 : i32 to index
      %swap3A_70 = arith.constant 96 : index
      %swap3A_71 = tpu.vector_load %arg9[%swap3A_69, %swap3A_70] {strides = array<i32>} : memref<80x128xf32, #tpu.memory_space<vmem>>, vector<16xf32>,
      tpu.vector_store %arg9[%swap3A_69, %swap3A_70], %broadcast_in_dim3A_1 {strides = array<i32>} : memref<80x128xf32, #tpu.memory_space<vmem>>, vector<16xf32>,
      %swap3A_72 = arith.index_cast %scan3A_50 : i32 to index
      %swap3A_73 = arith.constant 112 : index
      %swap3A_74 = tpu.vector_load %arg9[%swap3A_72, %swap3A_73] {strides = array<i32>} : memref<80x128xf32, #tpu.memory_space<vmem>>, vector<16xf32>,
      tpu.vector_store %arg9[%swap3A_72, %swap3A_73], %broadcast_in_dim3A_1 {strides = array<i32>} : memref<80x128xf32, #tpu.memory_space<vmem>>, vector<16xf32>,
    }
    %scan3A_6 = arith.constant 80 : i32
    %iota3A = tpu.iota {dimensions = array<i32: 0>} : vector<16xi32>
    %add3A_7 = arith.constant 0 : i32
    %add3A_8 = vector.broadcast %add3A_7 : i32 to vector<16xi32>
    %add3A_9 = arith.addi %iota3A, %add3A_8 : vector<16xi32>
    %swap3A = arith.constant 0 : index
    %swap3A_10 = tpu.vector_load %arg10[%swap3A] {strides = array<i32>} : memref<80xi32, #tpu.memory_space<vmem>>, vector<16xi32>,
    tpu.vector_store %arg10[%swap3A], %add3A_9 {strides = array<i32>} : memref<80xi32, #tpu.memory_space<vmem>>, vector<16xi32>,
    %iota3A_11 = tpu.iota {dimensions = array<i32: 0>} : vector<16xi32>
    %add3A_12 = arith.constant 16 : i32
    %add3A_13 = vector.broadcast %add3A_12 : i32 to vector<16xi32>
    %add3A_14 = arith.addi %iota3A_11, %add3A_13 : vector<16xi32>
    %swap3A_15 = arith.constant 16 : index
    %swap3A_16 = tpu.vector_load %arg10[%swap3A_15] {strides = array<i32>} : memref<80xi32, #tpu.memory_space<vmem>>, vector<16xi32>,
    tpu.vector_store %arg10[%swap3A_15], %add3A_14 {strides = array<i32>} : memref<80xi32, #tpu.memory_space<vmem>>, vector<16xi32>,
    %iota3A_17 = tpu.iota {dimensions = array<i32: 0>} : vector<16xi32>
    %add3A_18 = arith.constant 32 : i32
    %add3A_19 = vector.broadcast %add3A_18 : i32 to vector<16xi32>
    %add3A_20 = arith.addi %iota3A_17, %add3A_19 : vector<16xi32>
    %swap3A_21 = arith.constant 32 : index
    %swap3A_22 = tpu.vector_load %arg10[%swap3A_21] {strides = array<i32>} : memref<80xi32, #tpu.memory_space<vmem>>, vector<16xi32>,
    tpu.vector_store %arg10[%swap3A_21], %add3A_20 {strides = array<i32>} : memref<80xi32, #tpu.memory_space<vmem>>, vector<16xi32>,
    %iota3A_23 = tpu.iota {dimensions = array<i32: 0>} : vector<16xi32>
    %add3A_24 = arith.constant 48 : i32
    %add3A_25 = vector.broadcast %add3A_24 : i32 to vector<16xi32>
    %add3A_26 = arith.addi %iota3A_23, %add3A_25 : vector<16xi32>
    %swap3A_27 = arith.constant 48 : index
    %swap3A_28 = tpu.vector_load %arg10[%swap3A_27] {strides = array<i32>} : memref<80xi32, #tpu.memory_space<vmem>>, vector<16xi32>,
    tpu.vector_store %arg10[%swap3A_27], %add3A_26 {strides = array<i32>} : memref<80xi32, #tpu.memory_space<vmem>>, vector<16xi32>,
    %iota3A_29 = tpu.iota {dimensions = array<i32: 0>} : vector<16xi32>
    %add3A_30 = arith.constant 64 : i32
    %add3A_31 = vector.broadcast %add3A_30 : i32 to vector<16xi32>
    %add3A_32 = arith.addi %iota3A_29, %add3A_31 : vector<16xi32>
    %swap3A_33 = arith.constant 64 : index
    %swap3A_34 = tpu.vector_load %arg10[%swap3A_33] {strides = array<i32>} : memref<80xi32, #tpu.memory_space<vmem>>, vector<16xi32>,
    tpu.vector_store %arg10[%swap3A_33], %add3A_32 {strides = array<i32>} : memref<80xi32, #tpu.memory_space<vmem>>, vector<16xi32>,
    %mul3A_35 = arith.constant 5 : i32
    %mul3A_36 = arith.muli %arg1, %mul3A_35 : i32
    %mul3A_37 = arith.constant 5 : i32
    %mul3A_38 = arith.muli %arg1, %mul3A_37 : i32
    "tpu.region"() ({
      %run_scoped3A = tpu.sem_alloc : memref<!tpu.dma_semaphore, #tpu.memory_space<semaphore_mem>>
      %dma_start3A = arith.constant 0 : i32
      %dma_start3A_50 = tpu.memref_slice %arg9[%mul3A_36, %dma_start3A] : memref<80x128xf32, #tpu.memory_space<vmem>> -> memref<5x128xf32, #tpu.memory_space<vmem>>
      %dma_start3A_51 = arith.constant 0 : i32
      %dma_start3A_52 = tpu.memref_slice %arg11[%mul3A_38, %dma_start3A_51] : memref<80x128xf32, #tpu.memory_space<vmem_shared>> -> memref<5x128xf32, #tpu.memory_space<vmem_shared>>
      %dma_start3A_53 = arith.constant 0 : i32
      %dma_start3A_54 = tpu.memref_slice %arg11[%mul3A_38, %dma_start3A_53] : memref<80x128xf32, #tpu.memory_space<vmem_shared>> -> memref<5x128xf32, #tpu.memory_space<vmem_shared>>
      %dma_start3A_55 = arith.constant 0 : i32
      %dma_start3A_56 = tpu.memref_slice %arg9[%mul3A_36, %dma_start3A_55] : memref<80x128xf32, #tpu.memory_space<vmem>> -> memref<5x128xf32, #tpu.memory_space<vmem>>
      tpu.enqueue_dma source(%dma_start3A_56 : memref<5x128xf32, #tpu.memory_space<vmem>>) target(%dma_start3A_54 : memref<5x128xf32, #tpu.memory_space<vmem_shared>>) target_semaphore(%run_scoped3A : memref<!tpu.dma_semaphore, #tpu.memory_space<semaphore_mem>>)
      %dma_wait3A = arith.constant 0 : i32
      %dma_wait3A_57 = tpu.memref_slice %arg9[%mul3A_36, %dma_wait3A] : memref<80x128xf32, #tpu.memory_space<vmem>> -> memref<5x128xf32, #tpu.memory_space<vmem>>
      %dma_wait3A_58 = arith.constant 0 : i32
      %dma_wait3A_59 = tpu.memref_slice %arg11[%mul3A_38, %dma_wait3A_58] : memref<80x128xf32, #tpu.memory_space<vmem_shared>> -> memref<5x128xf32, #tpu.memory_space<vmem_shared>>
      %dma_wait3A_60 = arith.constant 0 : i32
      %dma_wait3A_61 = tpu.memref_slice %arg11[%mul3A_38, %dma_wait3A_60] : memref<80x128xf32, #tpu.memory_space<vmem_shared>> -> memref<5x128xf32, #tpu.memory_space<vmem_shared>>
      %dma_wait3A_62 = arith.constant 0 : i32
      %dma_wait3A_63 = tpu.memref_slice %arg9[%mul3A_36, %dma_wait3A_62] : memref<80x128xf32, #tpu.memory_space<vmem>> -> memref<5x128xf32, #tpu.memory_space<vmem>>
      tpu.wait_dma2 semaphore(%run_scoped3A : memref<!tpu.dma_semaphore, #tpu.memory_space<semaphore_mem>>) src(%dma_wait3A_63 : memref<5x128xf32, #tpu.memory_space<vmem>>) dst(%dma_wait3A_61 : memref<5x128xf32, #tpu.memory_space<vmem_shared>>)
      tpu.yield
    }) : () -> ()
    %barrier3A = arith.constant 0 : index
    tpu.barrier barrier_id(%barrier3A)
    %scan3A_39 = arith.constant 0 : i32
    %scan3A_40 = arith.constant 0 : i32
    %scan3A_41 = arith.constant 80 : i32
    %scan3A_42 = arith.addi %scan3A_40, %scan3A_41 : i32
    %scan3A_43 = arith.constant 1 : i32
    scf.for %scan3A_50 = %scan3A_40 to %scan3A_42 step %scan3A_43  : i32 {
      %get3A = arith.index_cast %scan3A_50 : i32 to index
      %get3A_51 = arith.constant 0 : index
      %get3A_52 = tpu.vector_load %arg6[%get3A, %get3A_51] {strides = array<i32>} : memref<80x128xi32, #tpu.memory_space<vmem>>, vector<16xi32>,
      %get3A_53 = arith.index_cast %scan3A_50 : i32 to index
      %get3A_54 = arith.constant 0 : index
      %get3A_55 = tpu.vector_load %arg7[%get3A_53, %get3A_54] {strides = array<i32>} : memref<80x128xi32, #tpu.memory_space<vmem>>, vector<16xi32>,
      %gather3A = tpu.vector_load_idx %arg8[%get3A_52] : memref<10240xf32, #tpu.memory_space<vmem>>[vector<16xi32>], vector<16xf32>,
      %shift_right_arithmetic3A = arith.constant 7 : i32
      %shift_right_arithmetic3A_56 = vector.broadcast %shift_right_arithmetic3A : i32 to vector<16xi32>
      %shift_right_arithmetic3A_57 = arith.shrsi %get3A_55, %shift_right_arithmetic3A_56 : vector<16xi32>
      %and3A = arith.constant 127 : i32
      %and3A_58 = vector.broadcast %and3A : i32 to vector<16xi32>
      %and3A_59 = arith.andi %get3A_55, %and3A_58 : vector<16xi32>
      tpu.vector_store_idx %arg9[%shift_right_arithmetic3A_57, %and3A_59], %gather3A {add = true} : memref<80x128xf32, #tpu.memory_space<vmem>>[vector<16xi32>, vector<16xi32>], vector<16xf32>,
      %get3A_60 = arith.index_cast %scan3A_50 : i32 to index
      %get3A_61 = arith.constant 16 : index
      %get3A_62 = tpu.vector_load %arg6[%get3A_60, %get3A_61] {strides = array<i32>} : memref<80x128xi32, #tpu.memory_space<vmem>>, vector<16xi32>,
      %get3A_63 = arith.index_cast %scan3A_50 : i32 to index
      %get3A_64 = arith.constant 16 : index
      %get3A_65 = tpu.vector_load %arg7[%get3A_63, %get3A_64] {strides = array<i32>} : memref<80x128xi32, #tpu.memory_space<vmem>>, vector<16xi32>,
      %gather3A_66 = tpu.vector_load_idx %arg8[%get3A_62] : memref<10240xf32, #tpu.memory_space<vmem>>[vector<16xi32>], vector<16xf32>,
      %shift_right_arithmetic3A_67 = arith.constant 7 : i32
      %shift_right_arithmetic3A_68 = vector.broadcast %shift_right_arithmetic3A_67 : i32 to vector<16xi32>
      %shift_right_arithmetic3A_69 = arith.shrsi %get3A_65, %shift_right_arithmetic3A_68 : vector<16xi32>
      %and3A_70 = arith.constant 127 : i32
      %and3A_71 = vector.broadcast %and3A_70 : i32 to vector<16xi32>
      %and3A_72 = arith.andi %get3A_65, %and3A_71 : vector<16xi32>
      tpu.vector_store_idx %arg9[%shift_right_arithmetic3A_69, %and3A_72], %gather3A_66 {add = true} : memref<80x128xf32, #tpu.memory_space<vmem>>[vector<16xi32>, vector<16xi32>], vector<16xf32>,
      %get3A_73 = arith.index_cast %scan3A_50 : i32 to index
      %get3A_74 = arith.constant 32 : index
      %get3A_75 = tpu.vector_load %arg6[%get3A_73, %get3A_74] {strides = array<i32>} : memref<80x128xi32, #tpu.memory_space<vmem>>, vector<16xi32>,
      %get3A_76 = arith.index_cast %scan3A_50 : i32 to index
      %get3A_77 = arith.constant 32 : index
      %get3A_78 = tpu.vector_load %arg7[%get3A_76, %get3A_77] {strides = array<i32>} : memref<80x128xi32, #tpu.memory_space<vmem>>, vector<16xi32>,
      %gather3A_79 = tpu.vector_load_idx %arg8[%get3A_75] : memref<10240xf32, #tpu.memory_space<vmem>>[vector<16xi32>], vector<16xf32>,
      %shift_right_arithmetic3A_80 = arith.constant 7 : i32
      %shift_right_arithmetic3A_81 = vector.broadcast %shift_right_arithmetic3A_80 : i32 to vector<16xi32>
      %shift_right_arithmetic3A_82 = arith.shrsi %get3A_78, %shift_right_arithmetic3A_81 : vector<16xi32>
      %and3A_83 = arith.constant 127 : i32
      %and3A_84 = vector.broadcast %and3A_83 : i32 to vector<16xi32>
      %and3A_85 = arith.andi %get3A_78, %and3A_84 : vector<16xi32>
      tpu.vector_store_idx %arg9[%shift_right_arithmetic3A_82, %and3A_85], %gather3A_79 {add = true} : memref<80x128xf32, #tpu.memory_space<vmem>>[vector<16xi32>, vector<16xi32>], vector<16xf32>,
      %get3A_86 = arith.index_cast %scan3A_50 : i32 to index
      %get3A_87 = arith.constant 48 : index
      %get3A_88 = tpu.vector_load %arg6[%get3A_86, %get3A_87] {strides = array<i32>} : memref<80x128xi32, #tpu.memory_space<vmem>>, vector<16xi32>,
      %get3A_89 = arith.index_cast %scan3A_50 : i32 to index
      %get3A_90 = arith.constant 48 : index
      %get3A_91 = tpu.vector_load %arg7[%get3A_89, %get3A_90] {strides = array<i32>} : memref<80x128xi32, #tpu.memory_space<vmem>>, vector<16xi32>,
      %gather3A_92 = tpu.vector_load_idx %arg8[%get3A_88] : memref<10240xf32, #tpu.memory_space<vmem>>[vector<16xi32>], vector<16xf32>,
      %shift_right_arithmetic3A_93 = arith.constant 7 : i32
      %shift_right_arithmetic3A_94 = vector.broadcast %shift_right_arithmetic3A_93 : i32 to vector<16xi32>
      %shift_right_arithmetic3A_95 = arith.shrsi %get3A_91, %shift_right_arithmetic3A_94 : vector<16xi32>
      %and3A_96 = arith.constant 127 : i32
      %and3A_97 = vector.broadcast %and3A_96 : i32 to vector<16xi32>
      %and3A_98 = arith.andi %get3A_91, %and3A_97 : vector<16xi32>
      tpu.vector_store_idx %arg9[%shift_right_arithmetic3A_95, %and3A_98], %gather3A_92 {add = true} : memref<80x128xf32, #tpu.memory_space<vmem>>[vector<16xi32>, vector<16xi32>], vector<16xf32>,
      %get3A_99 = arith.index_cast %scan3A_50 : i32 to index
      %get3A_100 = arith.constant 64 : index
      %get3A_101 = tpu.vector_load %arg6[%get3A_99, %get3A_100] {strides = array<i32>} : memref<80x128xi32, #tpu.memory_space<vmem>>, vector<16xi32>,
      %get3A_102 = arith.index_cast %scan3A_50 : i32 to index
      %get3A_103 = arith.constant 64 : index
      %get3A_104 = tpu.vector_load %arg7[%get3A_102, %get3A_103] {strides = array<i32>} : memref<80x128xi32, #tpu.memory_space<vmem>>, vector<16xi32>,
      %gather3A_105 = tpu.vector_load_idx %arg8[%get3A_101] : memref<10240xf32, #tpu.memory_space<vmem>>[vector<16xi32>], vector<16xf32>,
      %shift_right_arithmetic3A_106 = arith.constant 7 : i32
      %shift_right_arithmetic3A_107 = vector.broadcast %shift_right_arithmetic3A_106 : i32 to vector<16xi32>
      %shift_right_arithmetic3A_108 = arith.shrsi %get3A_104, %shift_right_arithmetic3A_107 : vector<16xi32>
      %and3A_109 = arith.constant 127 : i32
      %and3A_110 = vector.broadcast %and3A_109 : i32 to vector<16xi32>
      %and3A_111 = arith.andi %get3A_104, %and3A_110 : vector<16xi32>
      tpu.vector_store_idx %arg9[%shift_right_arithmetic3A_108, %and3A_111], %gather3A_105 {add = true} : memref<80x128xf32, #tpu.memory_space<vmem>>[vector<16xi32>, vector<16xi32>], vector<16xf32>,
      %get3A_112 = arith.index_cast %scan3A_50 : i32 to index
      %get3A_113 = arith.constant 80 : index
      %get3A_114 = tpu.vector_load %arg6[%get3A_112, %get3A_113] {strides = array<i32>} : memref<80x128xi32, #tpu.memory_space<vmem>>, vector<16xi32>,
      %get3A_115 = arith.index_cast %scan3A_50 : i32 to index
      %get3A_116 = arith.constant 80 : index
      %get3A_117 = tpu.vector_load %arg7[%get3A_115, %get3A_116] {strides = array<i32>} : memref<80x128xi32, #tpu.memory_space<vmem>>, vector<16xi32>,
      %gather3A_118 = tpu.vector_load_idx %arg8[%get3A_114] : memref<10240xf32, #tpu.memory_space<vmem>>[vector<16xi32>], vector<16xf32>,
      %shift_right_arithmetic3A_119 = arith.constant 7 : i32
      %shift_right_arithmetic3A_120 = vector.broadcast %shift_right_arithmetic3A_119 : i32 to vector<16xi32>
      %shift_right_arithmetic3A_121 = arith.shrsi %get3A_117, %shift_right_arithmetic3A_120 : vector<16xi32>
      %and3A_122 = arith.constant 127 : i32
      %and3A_123 = vector.broadcast %and3A_122 : i32 to vector<16xi32>
      %and3A_124 = arith.andi %get3A_117, %and3A_123 : vector<16xi32>
      tpu.vector_store_idx %arg9[%shift_right_arithmetic3A_121, %and3A_124], %gather3A_118 {add = true} : memref<80x128xf32, #tpu.memory_space<vmem>>[vector<16xi32>, vector<16xi32>], vector<16xf32>,
      %get3A_125 = arith.index_cast %scan3A_50 : i32 to index
      %get3A_126 = arith.constant 96 : index
      %get3A_127 = tpu.vector_load %arg6[%get3A_125, %get3A_126] {strides = array<i32>} : memref<80x128xi32, #tpu.memory_space<vmem>>, vector<16xi32>,
      %get3A_128 = arith.index_cast %scan3A_50 : i32 to index
      %get3A_129 = arith.constant 96 : index
      %get3A_130 = tpu.vector_load %arg7[%get3A_128, %get3A_129] {strides = array<i32>} : memref<80x128xi32, #tpu.memory_space<vmem>>, vector<16xi32>,
      %gather3A_131 = tpu.vector_load_idx %arg8[%get3A_127] : memref<10240xf32, #tpu.memory_space<vmem>>[vector<16xi32>], vector<16xf32>,
      %shift_right_arithmetic3A_132 = arith.constant 7 : i32
      %shift_right_arithmetic3A_133 = vector.broadcast %shift_right_arithmetic3A_132 : i32 to vector<16xi32>
      %shift_right_arithmetic3A_134 = arith.shrsi %get3A_130, %shift_right_arithmetic3A_133 : vector<16xi32>
      %and3A_135 = arith.constant 127 : i32
      %and3A_136 = vector.broadcast %and3A_135 : i32 to vector<16xi32>
      %and3A_137 = arith.andi %get3A_130, %and3A_136 : vector<16xi32>
      tpu.vector_store_idx %arg9[%shift_right_arithmetic3A_134, %and3A_137], %gather3A_131 {add = true} : memref<80x128xf32, #tpu.memory_space<vmem>>[vector<16xi32>, vector<16xi32>], vector<16xf32>,
      %get3A_138 = arith.index_cast %scan3A_50 : i32 to index
      %get3A_139 = arith.constant 112 : index
      %get3A_140 = tpu.vector_load %arg6[%get3A_138, %get3A_139] {strides = array<i32>} : memref<80x128xi32, #tpu.memory_space<vmem>>, vector<16xi32>,
      %get3A_141 = arith.index_cast %scan3A_50 : i32 to index
      %get3A_142 = arith.constant 112 : index
      %get3A_143 = tpu.vector_load %arg7[%get3A_141, %get3A_142] {strides = array<i32>} : memref<80x128xi32, #tpu.memory_space<vmem>>, vector<16xi32>,
      %gather3A_144 = tpu.vector_load_idx %arg8[%get3A_140] : memref<10240xf32, #tpu.memory_space<vmem>>[vector<16xi32>], vector<16xf32>,
      %shift_right_arithmetic3A_145 = arith.constant 7 : i32
      %shift_right_arithmetic3A_146 = vector.broadcast %shift_right_arithmetic3A_145 : i32 to vector<16xi32>
      %shift_right_arithmetic3A_147 = arith.shrsi %get3A_143, %shift_right_arithmetic3A_146 : vector<16xi32>
      %and3A_148 = arith.constant 127 : i32
      %and3A_149 = vector.broadcast %and3A_148 : i32 to vector<16xi32>
      %and3A_150 = arith.andi %get3A_143, %and3A_149 : vector<16xi32>
      tpu.vector_store_idx %arg9[%shift_right_arithmetic3A_147, %and3A_150], %gather3A_144 {add = true} : memref<80x128xf32, #tpu.memory_space<vmem>>[vector<16xi32>, vector<16xi32>], vector<16xf32>,
    }
    %scan3A_44 = arith.constant 80 : i32
    "tpu.region"() ({
      %run_scoped3A = tpu.sem_alloc : memref<!tpu.dma_semaphore, #tpu.memory_space<semaphore_mem>>
      %dma_start3A = arith.constant 0 : i32
      %dma_start3A_50 = arith.constant 0 : i32
      %dma_start3A_51 = tpu.memref_slice %arg11[%dma_start3A, %dma_start3A_50] : memref<80x128xf32, #tpu.memory_space<vmem_shared>> -> memref<80x128xf32, #tpu.memory_space<vmem_shared>>
      tpu.enqueue_indirect_dma source(%arg9 : memref<80x128xf32, #tpu.memory_space<vmem>>) target(%dma_start3A_51 : memref<80x128xf32, #tpu.memory_space<vmem_shared>>) offsets(%arg10 : memref<80xi32, #tpu.memory_space<vmem>>) semaphore(%run_scoped3A : memref<!tpu.dma_semaphore, #tpu.memory_space<semaphore_mem>>) {add = true}
      %dma_wait3A = arith.constant 0 : i32
      %dma_wait3A_52 = arith.constant 0 : i32
      %dma_wait3A_53 = tpu.memref_slice %arg11[%dma_wait3A, %dma_wait3A_52] : memref<80x128xf32, #tpu.memory_space<vmem_shared>> -> memref<80x128xf32, #tpu.memory_space<vmem_shared>>
      tpu.wait_indirect_dma semaphore(%run_scoped3A : memref<!tpu.dma_semaphore, #tpu.memory_space<semaphore_mem>>) src(%arg9 : memref<80x128xf32, #tpu.memory_space<vmem>>) dst(%dma_wait3A_53 : memref<80x128xf32, #tpu.memory_space<vmem_shared>>)
      tpu.yield
    }) : () -> ()
    %barrier3A_45 = arith.constant 0 : index
    tpu.barrier barrier_id(%barrier3A_45)
    %mul3A_46 = arith.constant 5 : i32
    %mul3A_47 = arith.muli %arg1, %mul3A_46 : i32
    %mul3A_48 = arith.constant 5 : i32
    %mul3A_49 = arith.muli %arg1, %mul3A_48 : i32
    "tpu.region"() ({
      %run_scoped3A = tpu.sem_alloc : memref<!tpu.dma_semaphore, #tpu.memory_space<semaphore_mem>>
      %dma_start3A = arith.constant 0 : i32
      %dma_start3A_50 = tpu.memref_slice %arg5[%arg0, %mul3A_49, %dma_start3A] : memref<2x80x128xf32, #tpu.memory_space<hbm>> -> memref<1x5x128xf32, #tpu.memory_space<hbm>>
      %dma_start3A_51 = tpu.memref_squeeze %dma_start3A_50 : memref<1x5x128xf32, #tpu.memory_space<hbm>> -> memref<5x128xf32, #tpu.memory_space<hbm>>
      %dma_start3A_52 = arith.constant 0 : i32
      %dma_start3A_53 = tpu.memref_slice %arg11[%mul3A_47, %dma_start3A_52] : memref<80x128xf32, #tpu.memory_space<vmem_shared>> -> memref<5x128xf32, #tpu.memory_space<vmem_shared>>
      tpu.enqueue_dma source(%dma_start3A_53 : memref<5x128xf32, #tpu.memory_space<vmem_shared>>) target(%dma_start3A_51 : memref<5x128xf32, #tpu.memory_space<hbm>>) target_semaphore(%run_scoped3A : memref<!tpu.dma_semaphore, #tpu.memory_space<semaphore_mem>>)
      %dma_wait3A = arith.constant 0 : i32
      %dma_wait3A_54 = tpu.memref_slice %arg5[%arg0, %mul3A_49, %dma_wait3A] : memref<2x80x128xf32, #tpu.memory_space<hbm>> -> memref<1x5x128xf32, #tpu.memory_space<hbm>>
      %dma_wait3A_55 = tpu.memref_squeeze %dma_wait3A_54 : memref<1x5x128xf32, #tpu.memory_space<hbm>> -> memref<5x128xf32, #tpu.memory_space<hbm>>
      %dma_wait3A_56 = arith.constant 0 : i32
      %dma_wait3A_57 = tpu.memref_slice %arg11[%mul3A_47, %dma_wait3A_56] : memref<80x128xf32, #tpu.memory_space<vmem_shared>> -> memref<5x128xf32, #tpu.memory_space<vmem_shared>>
      tpu.wait_dma2 semaphore(%run_scoped3A : memref<!tpu.dma_semaphore, #tpu.memory_space<semaphore_mem>>) src(%dma_wait3A_57 : memref<5x128xf32, #tpu.memory_space<vmem_shared>>) dst(%dma_wait3A_55 : memref<5x128xf32, #tpu.memory_space<hbm>>)
      tpu.yield
    }) : () -> ()
    return
  }
}

module attributes {stable_mosaic.version = 14 : i64} {
  func.func @_tc_layer1_body(%arg0: i32, %arg1: memref<2x1024x128xf32, #tpu.memory_space<vmem>>, %arg2: memref<2x1024x1xf32, #tpu.memory_space<vmem>>, %arg3: memref<1024x128xf32, #tpu.memory_space<vmem>>, %arg4: memref<128x128xf32, #tpu.memory_space<vmem>>, %arg5: memref<1x128xf32, #tpu.memory_space<vmem>>, %arg6: memref<128x128xf32, #tpu.memory_space<vmem>>, %arg7: memref<128x128xf32, #tpu.memory_space<vmem>>, %arg8: memref<128x128xf32, #tpu.memory_space<vmem>>, %arg9: memref<1x128xf32, #tpu.memory_space<vmem>>, %arg10: memref<1024x1xf32, #tpu.memory_space<vmem>>, %arg11: memref<1024x1xf32, #tpu.memory_space<vmem>>) attributes {dimension_semantics = [#tpu.dimension_semantics<arbitrary>], iteration_bounds = array<i64: 10>, scalar_prefetch = 0 : i64, scratch_operands = 0 : i64, tpu.core_type = #tpu.core_type<tc>, window_params = [{transform_indices = @transform_0, window_bounds = array<i64: 2, 1024, 128>}, {transform_indices = @transform_1, window_bounds = array<i64: 2, 1024, 1>}, {transform_indices = @transform_2, window_bounds = array<i64: 1024, 128>}, {pipeline_mode = #tpu.pipeline_mode<synchronous>, transform_indices = @transform_3, window_bounds = array<i64: 128, 128>}, {pipeline_mode = #tpu.pipeline_mode<synchronous>, transform_indices = @transform_4, window_bounds = array<i64: 1, 128>}, {pipeline_mode = #tpu.pipeline_mode<synchronous>, transform_indices = @transform_5, window_bounds = array<i64: 128, 128>}, {pipeline_mode = #tpu.pipeline_mode<synchronous>, transform_indices = @transform_6, window_bounds = array<i64: 128, 128>}, {pipeline_mode = #tpu.pipeline_mode<synchronous>, transform_indices = @transform_7, window_bounds = array<i64: 128, 128>}, {pipeline_mode = #tpu.pipeline_mode<synchronous>, transform_indices = @transform_8, window_bounds = array<i64: 1, 128>}, {transform_indices = @transform_9, window_bounds = array<i64: 1024, 1>}, {transform_indices = @transform_10, window_bounds = array<i64: 1024, 1>}]} {
    %get3A = arith.constant 0 : index
    %get3A_0 = arith.constant 0 : index
    %get3A_1 = arith.constant 0 : index
    %get3A_2 = vector.load %arg1[%get3A, %get3A_0, %get3A_1] : memref<2x1024x128xf32, #tpu.memory_space<vmem>>, vector<1x1024x128xf32>
    %get3A_3 = vector.shape_cast %get3A_2 : vector<1x1024x128xf32> to vector<1024x128xf32>
    %get3A_4 = arith.constant 1 : index
    %get3A_5 = arith.constant 0 : index
    %get3A_6 = arith.constant 0 : index
    %get3A_7 = vector.load %arg1[%get3A_4, %get3A_5, %get3A_6] : memref<2x1024x128xf32, #tpu.memory_space<vmem>>, vector<1x1024x128xf32>
    %get3A_8 = vector.shape_cast %get3A_7 : vector<1x1024x128xf32> to vector<1024x128xf32>
    %add3A = arith.addf %get3A_3, %get3A_8 : vector<1024x128xf32>
    %get3A_9 = arith.constant 0 : index
    %get3A_10 = arith.constant 0 : index
    %get3A_11 = arith.constant 0 : index
    %get3A_12 = vector.load %arg2[%get3A_9, %get3A_10, %get3A_11] : memref<2x1024x1xf32, #tpu.memory_space<vmem>>, vector<1x1024x1xf32>
    %get3A_13 = vector.shape_cast %get3A_12 : vector<1x1024x1xf32> to vector<1024x1xf32>
    %get3A_14 = arith.constant 1 : index
    %get3A_15 = arith.constant 0 : index
    %get3A_16 = arith.constant 0 : index
    %get3A_17 = vector.load %arg2[%get3A_14, %get3A_15, %get3A_16] : memref<2x1024x1xf32, #tpu.memory_space<vmem>>, vector<1x1024x1xf32>
    %get3A_18 = vector.shape_cast %get3A_17 : vector<1x1024x1xf32> to vector<1024x1xf32>
    %add3A_19 = arith.addf %get3A_13, %get3A_18 : vector<1024x1xf32>
    %max3A = arith.constant 1.000000e+00 : f32
    %max3A_20 = vector.broadcast %max3A : f32 to vector<1024x1xf32>
    %max3A_21 = arith.maximumf %add3A_19, %max3A_20 : vector<1024x1xf32>
    %div3A = arith.constant 1.000000e+00 : f32
    %div3A_22 = vector.broadcast %div3A : f32 to vector<1024x1xf32>
    %div3A_23 = arith.divf %div3A_22, %max3A_21 : vector<1024x1xf32>
    %mul3A = vector.broadcast %div3A_23 : vector<1024x1xf32> to vector<1024x128xf32>
    %mul3A_24 = arith.mulf %add3A, %mul3A : vector<1024x128xf32>
    %get3A_25 = arith.constant 0 : index
    %get3A_26 = arith.constant 0 : index
    %get3A_27 = vector.load %arg3[%get3A_25, %get3A_26] : memref<1024x128xf32, #tpu.memory_space<vmem>>, vector<1024x128xf32>
    %get3A_28 = arith.constant 0 : index
    %get3A_29 = arith.constant 0 : index
    %get3A_30 = vector.load %arg4[%get3A_28, %get3A_29] : memref<128x128xf32, #tpu.memory_space<vmem>>, vector<128x128xf32>
    %dot_general3A = arith.constant dense<0.000000e+00> : vector<1024x128xf32>
    %dot_general3A_31 = tpu.matmul %mul3A_24, %get3A_30, %dot_general3A {dimension_numbers = #tpu.dot_dimension_numbers<[1], [1], [0], [0], [0, 0, 1, 0], [], []>, precision = #tpu.contract_precision<fp32>, transpose_lhs_hint = false} : vector<1024x128xf32>, vector<128x128xf32>, vector<1024x128xf32> -> vector<1024x128xf32>
    %get3A_32 = arith.constant 0 : index
    %get3A_33 = arith.constant 0 : index
    %get3A_34 = vector.load %arg5[%get3A_32, %get3A_33] : memref<1x128xf32, #tpu.memory_space<vmem>>, vector<1x128xf32>
    %add3A_35 = vector.broadcast %get3A_34 : vector<1x128xf32> to vector<1024x128xf32>
    %add3A_36 = arith.addf %dot_general3A_31, %add3A_35 : vector<1024x128xf32>
    %get3A_37 = arith.constant 0 : index
    %get3A_38 = arith.constant 0 : index
    %get3A_39 = vector.load %arg6[%get3A_37, %get3A_38] : memref<128x128xf32, #tpu.memory_space<vmem>>, vector<128x128xf32>
    %dot_general3A_40 = arith.constant dense<0.000000e+00> : vector<1024x128xf32>
    %dot_general3A_41 = tpu.matmul %get3A_27, %get3A_39, %dot_general3A_40 {dimension_numbers = #tpu.dot_dimension_numbers<[1], [1], [0], [0], [0, 0, 1, 0], [], []>, precision = #tpu.contract_precision<fp32>, transpose_lhs_hint = false} : vector<1024x128xf32>, vector<128x128xf32>, vector<1024x128xf32> -> vector<1024x128xf32>
    %add3A_42 = arith.addf %add3A_36, %dot_general3A_41 : vector<1024x128xf32>
    %max3A_43 = arith.constant 0.000000e+00 : f32
    %max3A_44 = vector.broadcast %max3A_43 : f32 to vector<1024x128xf32>
    %max3A_45 = arith.maximumf %add3A_42, %max3A_44 : vector<1024x128xf32>
    %get3A_46 = arith.constant 0 : index
    %get3A_47 = arith.constant 0 : index
    %get3A_48 = vector.load %arg9[%get3A_46, %get3A_47] : memref<1x128xf32, #tpu.memory_space<vmem>>, vector<1x128xf32>
    %get3A_49 = arith.constant 0 : index
    %get3A_50 = arith.constant 0 : index
    %get3A_51 = vector.load %arg7[%get3A_49, %get3A_50] : memref<128x128xf32, #tpu.memory_space<vmem>>, vector<128x128xf32>
    %dot_general3A_52 = arith.constant dense<0.000000e+00> : vector<1x128xf32>
    %dot_general3A_53 = tpu.matmul %get3A_48, %get3A_51, %dot_general3A_52 {dimension_numbers = #tpu.dot_dimension_numbers<[1], [0], [0], [1], [0, 0, 1, 1], [], []>, precision = #tpu.contract_precision<fp32>, transpose_lhs_hint = false} : vector<1x128xf32>, vector<128x128xf32>, vector<1x128xf32> -> vector<1x128xf32>
    %get3A_54 = arith.constant 0 : index
    %get3A_55 = arith.constant 0 : index
    %get3A_56 = vector.load %arg9[%get3A_54, %get3A_55] : memref<1x128xf32, #tpu.memory_space<vmem>>, vector<1x128xf32>
    %get3A_57 = arith.constant 0 : index
    %get3A_58 = arith.constant 0 : index
    %get3A_59 = vector.load %arg8[%get3A_57, %get3A_58] : memref<128x128xf32, #tpu.memory_space<vmem>>, vector<128x128xf32>
    %dot_general3A_60 = arith.constant dense<0.000000e+00> : vector<1x128xf32>
    %dot_general3A_61 = tpu.matmul %get3A_56, %get3A_59, %dot_general3A_60 {dimension_numbers = #tpu.dot_dimension_numbers<[1], [0], [0], [1], [0, 0, 1, 1], [], []>, precision = #tpu.contract_precision<fp32>, transpose_lhs_hint = false} : vector<1x128xf32>, vector<128x128xf32>, vector<1x128xf32> -> vector<1x128xf32>
    %dot_general3A_62 = arith.constant dense<0.000000e+00> : vector<1024x1xf32>
    %dot_general3A_63 = tpu.matmul %max3A_45, %dot_general3A_53, %dot_general3A_62 {dimension_numbers = #tpu.dot_dimension_numbers<[1], [1], [0], [0], [0, 0, 1, 0], [], []>, precision = #tpu.contract_precision<fp32>, transpose_lhs_hint = false} : vector<1024x128xf32>, vector<1x128xf32>, vector<1024x1xf32> -> vector<1024x1xf32>
    %swap3A = arith.constant 0 : index
    %swap3A_64 = arith.constant 0 : index
    %swap3A_65 = vector.load %arg10[%swap3A, %swap3A_64] : memref<1024x1xf32, #tpu.memory_space<vmem>>, vector<1024x1xf32>
    tpu.vector_store %arg10[%swap3A, %swap3A_64], %dot_general3A_63 {strides = array<i32>} : memref<1024x1xf32, #tpu.memory_space<vmem>>, vector<1024x1xf32>,
    %dot_general3A_66 = arith.constant dense<0.000000e+00> : vector<1024x1xf32>
    %dot_general3A_67 = tpu.matmul %max3A_45, %dot_general3A_61, %dot_general3A_66 {dimension_numbers = #tpu.dot_dimension_numbers<[1], [1], [0], [0], [0, 0, 1, 0], [], []>, precision = #tpu.contract_precision<fp32>, transpose_lhs_hint = false} : vector<1024x128xf32>, vector<1x128xf32>, vector<1024x1xf32> -> vector<1024x1xf32>
    %swap3A_68 = arith.constant 0 : index
    %swap3A_69 = arith.constant 0 : index
    %swap3A_70 = vector.load %arg11[%swap3A_68, %swap3A_69] : memref<1024x1xf32, #tpu.memory_space<vmem>>, vector<1024x1xf32>
    tpu.vector_store %arg11[%swap3A_68, %swap3A_69], %dot_general3A_67 {strides = array<i32>} : memref<1024x1xf32, #tpu.memory_space<vmem>>, vector<1024x1xf32>,
    return
  }
  func.func @transform_0(%arg0: i32) -> (i32, i32, i32) {
    %c0_i32 = arith.constant 0 : i32
    %c0_i32_0 = arith.constant 0 : i32
    %c0_i32_1 = arith.constant 0 : i32
    return %c0_i32, %arg0, %c0_i32_0 : i32, i32, i32
  }
  func.func @transform_1(%arg0: i32) -> (i32, i32, i32) {
    %c0_i32 = arith.constant 0 : i32
    %c0_i32_0 = arith.constant 0 : i32
    %c0_i32_1 = arith.constant 0 : i32
    return %c0_i32, %arg0, %c0_i32_0 : i32, i32, i32
  }
  func.func @transform_2(%arg0: i32) -> (i32, i32) {
    %c0_i32 = arith.constant 0 : i32
    %c0_i32_0 = arith.constant 0 : i32
    return %arg0, %c0_i32 : i32, i32
  }
  func.func @transform_3(%arg0: i32) -> (i32, i32) {
    %c0_i32 = arith.constant 0 : i32
    %c0_i32_0 = arith.constant 0 : i32
    %c0_i32_1 = arith.constant 0 : i32
    return %c0_i32, %c0_i32_0 : i32, i32
  }
  func.func @transform_4(%arg0: i32) -> (i32, i32) {
    %c0_i32 = arith.constant 0 : i32
    %c0_i32_0 = arith.constant 0 : i32
    %c0_i32_1 = arith.constant 0 : i32
    return %c0_i32, %c0_i32_0 : i32, i32
  }
  func.func @transform_5(%arg0: i32) -> (i32, i32) {
    %c0_i32 = arith.constant 0 : i32
    %c0_i32_0 = arith.constant 0 : i32
    %c0_i32_1 = arith.constant 0 : i32
    return %c0_i32, %c0_i32_0 : i32, i32
  }
  func.func @transform_6(%arg0: i32) -> (i32, i32) {
    %c0_i32 = arith.constant 0 : i32
    %c0_i32_0 = arith.constant 0 : i32
    %c0_i32_1 = arith.constant 0 : i32
    return %c0_i32, %c0_i32_0 : i32, i32
  }
  func.func @transform_7(%arg0: i32) -> (i32, i32) {
    %c0_i32 = arith.constant 0 : i32
    %c0_i32_0 = arith.constant 0 : i32
    %c0_i32_1 = arith.constant 0 : i32
    return %c0_i32, %c0_i32_0 : i32, i32
  }
  func.func @transform_8(%arg0: i32) -> (i32, i32) {
    %c0_i32 = arith.constant 0 : i32
    %c0_i32_0 = arith.constant 0 : i32
    %c0_i32_1 = arith.constant 0 : i32
    return %c0_i32, %c0_i32_0 : i32, i32
  }
  func.func @transform_9(%arg0: i32) -> (i32, i32) {
    %c0_i32 = arith.constant 0 : i32
    %c0_i32_0 = arith.constant 0 : i32
    return %arg0, %c0_i32 : i32, i32
  }
  func.func @transform_10(%arg0: i32) -> (i32, i32) {
    %c0_i32 = arith.constant 0 : i32
    %c0_i32_0 = arith.constant 0 : i32
    return %arg0, %c0_i32 : i32, i32
  }
}

module attributes {stable_mosaic.version = 14 : i64} {
  func.func @_tc_final_body(%arg0: memref<2x80x128xf32, #tpu.memory_space<vmem>>, %arg1: memref<2x80x128xf32, #tpu.memory_space<vmem>>, %arg2: memref<80x128xf32, #tpu.memory_space<vmem>>, %arg3: memref<1x128xf32, #tpu.memory_space<vmem>>, %arg4: memref<1x128xf32, #tpu.memory_space<vmem>>, %arg5: memref<1x1xf32, #tpu.memory_space<vmem>>, %arg6: memref<80x128xf32, #tpu.memory_space<vmem>>) attributes {dimension_semantics = [], scalar_prefetch = 0 : i64, scratch_operands = 0 : i64, tpu.core_type = #tpu.core_type<tc>} {
    %get3A = arith.constant 0 : index
    %get3A_0 = arith.constant 0 : index
    %get3A_1 = vector.load %arg4[%get3A, %get3A_0] : memref<1x128xf32, #tpu.memory_space<vmem>>, vector<1x128xf32>
    %get3A_2 = arith.constant 0 : index
    %get3A_3 = arith.constant 0 : index
    %get3A_4 = vector.load %arg3[%get3A_2, %get3A_3] : memref<1x128xf32, #tpu.memory_space<vmem>>, vector<1x128xf32>
    %mul3A = arith.mulf %get3A_1, %get3A_4 : vector<1x128xf32>
    %reduce_sum3A = vector.shape_cast %mul3A : vector<1x128xf32> to vector<1x1x128xf32>
    %reduce_sum3A_5 = arith.constant dense<0.000000e+00> : vector<1xf32>
    %reduce_sum3A_6 = vector.multi_reduction <add>, %reduce_sum3A, %reduce_sum3A_5 [1, 2] : vector<1x1x128xf32> to vector<1xf32>
    %reduce_sum3A_7 = vector.shape_cast %reduce_sum3A_6 : vector<1xf32> to vector<1x1x1xf32>
    %reduce_sum3A_8 = vector.extract %reduce_sum3A_7[0, 0, 0] : f32 from vector<1x1x1xf32>
    %get3A_9 = arith.constant 0 : index
    %get3A_10 = arith.constant 0 : index
    %get3A_11 = vector.load %arg5[%get3A_9, %get3A_10] : memref<1x1xf32, #tpu.memory_space<vmem>>, vector<1x1xf32>
    %reduce_sum3A_12 = vector.shape_cast %get3A_11 : vector<1x1xf32> to vector<1x1x1xf32>
    %reduce_sum3A_13 = arith.constant dense<0.000000e+00> : vector<1xf32>
    %reduce_sum3A_14 = vector.multi_reduction <add>, %reduce_sum3A_12, %reduce_sum3A_13 [1, 2] : vector<1x1x1xf32> to vector<1xf32>
    %reduce_sum3A_15 = vector.shape_cast %reduce_sum3A_14 : vector<1xf32> to vector<1x1x1xf32>
    %reduce_sum3A_16 = vector.extract %reduce_sum3A_15[0, 0, 0] : f32 from vector<1x1x1xf32>
    %add3A = arith.addf %reduce_sum3A_8, %reduce_sum3A_16 : f32
    %get3A_17 = arith.constant 0 : index
    %get3A_18 = arith.constant 0 : index
    %get3A_19 = arith.constant 0 : index
    %get3A_20 = vector.load %arg0[%get3A_17, %get3A_18, %get3A_19] : memref<2x80x128xf32, #tpu.memory_space<vmem>>, vector<1x80x128xf32>
    %get3A_21 = vector.shape_cast %get3A_20 : vector<1x80x128xf32> to vector<80x128xf32>
    %get3A_22 = arith.constant 1 : index
    %get3A_23 = arith.constant 0 : index
    %get3A_24 = arith.constant 0 : index
    %get3A_25 = vector.load %arg0[%get3A_22, %get3A_23, %get3A_24] : memref<2x80x128xf32, #tpu.memory_space<vmem>>, vector<1x80x128xf32>
    %get3A_26 = vector.shape_cast %get3A_25 : vector<1x80x128xf32> to vector<80x128xf32>
    %add3A_27 = arith.addf %get3A_21, %get3A_26 : vector<80x128xf32>
    %get3A_28 = arith.constant 0 : index
    %get3A_29 = arith.constant 0 : index
    %get3A_30 = arith.constant 0 : index
    %get3A_31 = vector.load %arg1[%get3A_28, %get3A_29, %get3A_30] : memref<2x80x128xf32, #tpu.memory_space<vmem>>, vector<1x80x128xf32>
    %get3A_32 = vector.shape_cast %get3A_31 : vector<1x80x128xf32> to vector<80x128xf32>
    %get3A_33 = arith.constant 1 : index
    %get3A_34 = arith.constant 0 : index
    %get3A_35 = arith.constant 0 : index
    %get3A_36 = vector.load %arg1[%get3A_33, %get3A_34, %get3A_35] : memref<2x80x128xf32, #tpu.memory_space<vmem>>, vector<1x80x128xf32>
    %get3A_37 = vector.shape_cast %get3A_36 : vector<1x80x128xf32> to vector<80x128xf32>
    %add3A_38 = arith.addf %get3A_32, %get3A_37 : vector<80x128xf32>
    %max3A = arith.constant 1.000000e+00 : f32
    %max3A_39 = vector.broadcast %max3A : f32 to vector<80x128xf32>
    %max3A_40 = arith.maximumf %add3A_38, %max3A_39 : vector<80x128xf32>
    %div3A = arith.constant 1.000000e+00 : f32
    %div3A_41 = vector.broadcast %div3A : f32 to vector<80x128xf32>
    %div3A_42 = arith.divf %div3A_41, %max3A_40 : vector<80x128xf32>
    %mul3A_43 = arith.mulf %add3A_27, %div3A_42 : vector<80x128xf32>
    %get3A_44 = arith.constant 0 : index
    %get3A_45 = arith.constant 0 : index
    %get3A_46 = vector.load %arg2[%get3A_44, %get3A_45] : memref<80x128xf32, #tpu.memory_space<vmem>>, vector<80x128xf32>
    %add3A_47 = arith.addf %mul3A_43, %get3A_46 : vector<80x128xf32>
    %add3A_48 = vector.broadcast %add3A : f32 to vector<80x128xf32>
    %add3A_49 = arith.addf %add3A_47, %add3A_48 : vector<80x128xf32>
    %swap3A = arith.constant 0 : index
    %swap3A_50 = arith.constant 0 : index
    %swap3A_51 = vector.load %arg6[%swap3A, %swap3A_50] : memref<80x128xf32, #tpu.memory_space<vmem>>, vector<80x128xf32>
    tpu.vector_store %arg6[%swap3A, %swap3A_50], %add3A_49 {strides = array<i32>} : memref<80x128xf32, #tpu.memory_space<vmem>>, vector<80x128xf32>,
    return
  }
}

</mosaic_0001>

<sc_bundles>
// kernel: kernel.6.cloned.1.call-start
scs
__scs_entry_jumppad:
0x0: {  	(pc) =	sbr.rel $0x88, $3  }
0x1: {  	(tag) =	ssettag $0x0;
	lr =	simm.s32 $0x1  }
0x2: {  	[smem:$0x3F97] =	sst lr;
	_ =	strace $0xD0000000  }
0x3: {  	_ = 	snop  }
0x4: {  	_ = 	snop  }
0x5: {  	_ = 	snop  }
0x6: {  	_ = 	snop  }
0x7: {  	_ = 	snop  }
__scs_overlays_trampoline_lowered:
0x8: {  	[smem:$0x3FA6] =	sst s0  }
0x9: {  	[smem:$0x3FA7] =	sst s1  }
0xa: {  	[smem:$0x3FA8] =	sst s2  }
0xb: {  	[smem:$0x3FA9] =	sst s3  }
0xc: {  	[smem:$0x3FAA] =	sst s4  }
0xd: {  	[smem:$0x3FAB] =	sst s5  }
0xe: {  	[smem:$0x3FAC] =	sst s6  }
0xf: {  	[smem:$0x3FAD] =	sst s7  }
0x10: {  	[smem:$0x3FAE] =	sst s8  }
0x11: {  	[smem:$0x3FAF] =	sst s9;
	s0 =	simm.s32 @!p0 $0x0  }
0x12: {  	s1 =	sld [smem:$0x3F95];
	s0 =	simm.s32 @p0 $0x1  }
0x13: {  	[smem:$0x3FB0] =	sst s0;
	s0 =	simm.s32 @!p1 $0x0  }
0x14: {  	s2 =	sld [smem:$0x3F94];
	s0 =	simm.s32 @p1 $0x1  }
0x15: {  	[smem:$0x3FB1] =	sst s0;
	s0 =	simm.s32 @!p2 $0x0  }
0x16: {  	s3 =	sld [smem:$0x3FDB];
	s0 =	simm.s32 @p2 $0x1  }
0x17: {  	s4 =	simm.s32 $0x1BF5;
	[smem:$0x3FB3] =	sst s0  }
0x18: {  	s0 =	sld [smem:$0x3F96];
	_ =	swait.ge [sflag:s4], $0x0  }
0x19: {  	s7 =	sld [smem:$0x3F97]  }
0x1a: {  	s8 =	sadd.s32 $0xFFFFE003, lr  }
0x1b: {  	s9 =	sadd.s32 $0xFFFFFEF7, lr;
	s5 =	simm.s32 $0xFFFFFFFF;
	p2 =	slt.u32 s8, $0xFFFFF086  }
0x1c: {  	p1 =	slt.u32 s9, $0xF7A;
	s5 =	simm.s32 @!p2 $0x0  }
0x1d: {  	s5 =	simm.s32 @p1 $0x1;
	p0 =	seq.s32 s7, s2  }
0x1e: {  	s7 =	smul.u32 @!p0 $0xF7A, s2;
	p2 =	seq.s32 @!p0 s5, $0x0  }
0x1f: {  	s9 =	smul.u32 $0xF7A, s1;
	s8 =	simm.s32 @!p0 $0x1BF5;
	p2 =	por !p2, p0  }
0x20: {  	[sflag:s8] =	ssyncset.s32 @!p0 $0xFFFFF086;
	s6 =	sadd.s32 @!p0 s3, s7;
	s7 =	simm.s32 @!p0 $0x108  }
0x21: {  	s3 =	sadd.s32 s3, s9;
	s6 =	sadd.s32 @!p0 $0x88, s6;
	s7 =	simm.s32 @p2 $0x1082  }
0x22: {  	[simem:s7], [sflag:s8] =	dma.local @!p0 [hbm:s6], $0xF7A  }
0x23: {  	s9 =	sor.u32 $0xD0000000, s2;
	s6 =	simm.s32 $0x108;
	_ =	swait.ge @!p0 [sflag:s8], $0x0  }
0x24: {  	s3 =	sadd.s32 $0x88, s3;
	s6 =	simm.s32 @!p1 $0x1082;
	[sflag:s4] =	ssyncset.s32 $0xFFFFF086  }
0x25: {  	[simem:s6], [sflag:s4] =	dma.local [hbm:s3], $0xF7A  }
0x26: {  	[smem:$0x3F97] =	sst s1;
	(tag) =	ssettag s2;
	_ =	strace s9  }
0x27: {  	s1 =	sld [smem:$0x3FA7]  }
0x28: {  	s2 =	sld [smem:$0x3FA8]  }
0x29: {  	s4 =	sld [smem:$0x3FAA]  }
0x2a: {  	p0 =	seq.s32 s5, $0x0;
	s5 =	sld [smem:$0x3FAB]  }
0x2b: {  	s6 =	sld [smem:$0x3FAC]  }
0x2c: {  	s7 =	sld [smem:$0x3FAD]  }
0x2d: {  	s3 =	simm.s32 $0x108;
	s8 =	sld [smem:$0x3FAE]  }
0x2e: {  	s3 =	simm.s32 @!p0 $0x1082;
	s9 =	sld [smem:$0x3FAF]  }
0x2f: {  	lr =	sadd.s32 s0, s3;
	s0 =	sld [smem:$0x3FA6]  }
0x30: {  	s3 =	sld [smem:$0x3FA9]  }
0x31: {  	[smem:$0x3FB2] =	sst s10  }
0x32: {  	s10 =	sld [smem:$0x3FB0];
	_ =	sdelay $0x3  }
0x33: {  	p0 =	seq.s32 s10, $0x1;
	s10 =	sld [smem:$0x3FB2];
	_ =	sdelay $0x3  }
0x34: {  	[smem:$0x3FB2] =	sst s10  }
0x35: {  	s10 =	sld [smem:$0x3FB1];
	_ =	sdelay $0x3  }
0x36: {  	p1 =	seq.s32 s10, $0x1;
	s10 =	sld [smem:$0x3FB2];
	_ =	sdelay $0x3  }
0x37: {  	[smem:$0x3FB2] =	sst s10  }
0x38: {  	s10 =	sld [smem:$0x3FB3]  }
0x39: {  	_ = 	snop;
	(pc) =	sbr.ind lr, $3  }
0x3a: {  	_ = 	snop  }
0x3b: {  	_ = 	snop  }
0x3c: {  	p2 =	seq.s32 s10, $0x1;
	s10 =	sld [smem:$0x3FB2]  }
0x3d: {  	_ =	shalt  }
0x3e: {  	_ =	shalt  }
0x3f: {  	_ =	shalt  }
0x40: {  	_ =	shalt  }
0x41: {  	_ =	shalt  }
0x42: {  	_ =	shalt  }
0x43: {  	_ =	shalt  }
0x44: {  	_ =	shalt  }
0x45: {  	_ =	shalt  }
0x46: {  	_ =	shalt  }
0x47: {  	_ =	shalt  }
0x48: {  	_ =	shalt  }
0x49: {  	_ =	shalt  }
0x4a: {  	_ =	shalt  }
0x4b: {  	_ =	shalt  }
0x4c: {  	_ =	shalt  }
0x4d: {  	_ =	shalt  }
0x4e: {  	_ =	shalt  }
0x4f: {  	_ =	shalt  }
0x50: {  	_ =	shalt  }
0x51: {  	_ =	shalt  }
0x52: {  	_ =	shalt  }
0x53: {  	_ =	shalt  }
0x54: {  	_ =	shalt  }
0x55: {  	_ =	shalt  }
0x56: {  	_ =	shalt  }
0x57: {  	_ =	shalt  }
0x58: {  	_ =	shalt  }
0x59: {  	_ =	shalt  }
0x5a: {  	_ =	shalt  }
0x5b: {  	_ =	shalt  }
0x5c: {  	_ =	shalt  }
0x5d: {  	_ =	shalt  }
0x5e: {  	_ =	shalt  }
0x5f: {  	_ =	shalt  }
0x60: {  	_ =	shalt  }
0x61: {  	_ =	shalt  }
0x62: {  	_ =	shalt  }
0x63: {  	_ =	shalt  }
0x64: {  	_ =	shalt  }
0x65: {  	_ =	shalt  }
0x66: {  	_ =	shalt  }
0x67: {  	_ =	shalt  }
0x68: {  	_ =	shalt  }
0x69: {  	_ =	shalt  }
0x6a: {  	_ =	shalt  }
0x6b: {  	_ =	shalt  }
0x6c: {  	_ =	shalt  }
0x6d: {  	_ =	shalt  }
0x6e: {  	_ =	shalt  }
0x6f: {  	_ =	shalt  }
0x70: {  	_ =	shalt  }
0x71: {  	_ =	shalt  }
0x72: {  	_ =	shalt  }
0x73: {  	_ =	shalt  }
0x74: {  	_ =	shalt  }
0x75: {  	_ =	shalt  }
0x76: {  	_ =	shalt  }
0x77: {  	_ =	shalt  }
0x78: {  	_ =	shalt  }
0x79: {  	_ =	shalt  }
0x7a: {  	_ =	shalt  }
0x7b: {  	_ =	shalt  }
0x7c: {  	_ =	shalt  }
0x7d: {  	_ =	shalt  }
0x7e: {  	_ =	shalt  }
0x7f: {  	_ =	shalt  }
0x80: {  	_ =	shalt  }
0x81: {  	_ =	shalt  }
0x82: {  	_ =	shalt  }
0x83: {  	_ =	shalt  }
0x84: {  	_ =	shalt  }
0x85: {  	_ =	shalt  }
0x86: {  	_ =	shalt  }
0x87: {  	_ =	shalt  }
.Lfunc_end0:
.L_simem_size_0:
called_computation_lowered:
.L_overlay_start_0:
0x88: {  	s2 =	sld [smem:$0x3FD9]  }
0x89: {  	s3 =	sld [smem:$0x3FFE];
	_ =	sdelay $0x1  }
0x8a: {  	s1 =	srdreg.scid  }
0x8b: {  	s0 =	sand.u32 $0x1, s1  }
0x8c: {  	s16 =	sshll.u32 s0, $0xA;
	s2 =	sadd.s32 s3, s2  }
0x8d: {  	s2 =	sadd.s32 s2, s16  }
0x8e: {  	[smem:$0x3FBE] =	sst s2  }
0x8f: {  	_ = 	snop  }
0x90: {  	(tm) =	ssettm $0x1  }
0x91: {  	s17 =	sld [smem:$0x3FFB];
	_ =	sdelay $0x3  }
0x92: {  	_ =	strace s17  }
0x93: {  	s2 =	sld [smem:$0x3FFC];
	_ =	sdelay $0x3  }
0x94: {  	_ =	strace s2  }
0x95: {  	s2 =	sld [smem:$0x3FFD];
	_ =	sdelay $0x3  }
0x96: {  	_ =	strace s2  }
0x97: {  	_ =	strace $0x8FFFFFFF  }
0x98: {  	s18 =	sld [smem:$0x3FDB];
	_ =	sdelay $0x1  }
0x99: {  	s19 =	simm.s32 $_scs_section_size  }
0x9a: {  	s4 =	simm.s32 $_size__tile_overlayer_lowered;
	s5 =	simm.s32 $_tile_overlayer_lowered  }
0x9b: {  	s22 =	simm.s32 $0x1BFF;
	s21 =	sshll.u32 s5, $0x1;
	s2 =	sadd.s32 s19, s18  }
0x9c: {  	s6 =	simm.s32 $0x0;
	s20 =	sshll.u32 s4, $0x1;
	s4 =	sadd.s32 s21, s2  }
0x9d: {  	[timem:s6], [sflag:s22] =	dma.local [hbm:s4], s20  }
0x9e: {  	_ =	swait.ge [sflag:s22], s20  }
0x9f: {  	s3 =	ssub.s32 $0x0, s20;
	[sflag:s22] =	ssyncset.done $0x0  }
0xa0: {  	[sflag:s22] =	ssyncadd.s32 s3;
	_ =	sdelay $0x1  }
0xa1: {  	s23 =	simm.s32 $0x1B8B  }
0xa2: {  	_ =	swait.ge [sflag:s23], $0x1  }
0xa3: {  	[sflag:s23] =	ssyncset.done $0x0  }
0xa4: {  	s25 =	simm.s32 $0x1B8E;
	s24 =	sld [smem:$0x3FFE];
	[sflag:s23] =	ssyncadd.s32 $0xFFFFFFFF  }
0xa5: {  	s26 =	simm.s32 $execute0_lowered;
	[smem:$0x3FD2] =	sst s25  }
0xa6: {  	s4 =	sshll.u32 s26, $0x1;
	_ =	strace $0x80000046;
	[dreg:$0x1] =	wrdreg $0xFFFFFFFF  }
0xa7: {  	s28 =	simm.s32 $_size_execute0_lowered;
	s2 =	sadd.s32 s2, s4;
	[dreg:$0x0] =	wrdreg $0x0  }
0xa8: {  	s4 =	sshll.u32 s28, $0x1;
	[dreg:$0x2] =	wrdreg s2  }
0xa9: {  	[dreg:$0x3] =	wrdreg s4  }
0xaa: {  	[dreg:$0x4] =	wrdreg $0xC0  }
0xab: {  	_ =	task [dreg:s6], $0x5FFFF  }
0xac: {  	[dreg:$0x1] =	wrdreg $0xFFFFFFFF  }
0xad: {  	[dreg:$0x0] =	wrdreg $0x60  }
0xae: {  	[dreg:$0x2] =	wrdreg s24  }
0xaf: {  	[dreg:$0x3] =	wrdreg $0xBC500  }
0xb0: {  	[dreg:$0x4] =	wrdreg $0x1FC500  }
0xb1: {  	[dreg:$0x5] =	wrdreg $0x9  }
0xb2: {  	_ =	task.clear_ibuf [dreg:s6], $0x6FFFF;
	_ =	strace $0x90000046  }
0xb3: {  	s29 =	simm.s32 $0x9;
	_ =	strace $0x80000048  }
0xb4: {  	_ =	swait.ge [sflag:s29], $0x1  }
0xb5: {  	[sflag:s29] =	ssyncadd.s32 $0xFFFFFFFF  }
0xb6: {  	_ =	strace $0x90000048  }
0xb7: {  	_ =	sfence  }
0xb8: {  	s30 =	sld [smem:$0x0];
	_ =	sdelay $0x2  }
0xb9: {  	s31 =	sshll.u32 s1, $0xD;
	s1 =	sshrl.u32 s1, $0x2  }
0xba: {  	s3 =	sand.u32 $0x4000, s31;
	s1 =	sadd.s32 s1, s30  }
0xbb: {  	s0 =	sor.u32 s3, s0;
	s1 =	sshll.u32 s1, $0x11  }
0xbc: {  	s0 =	sor.u32 s1, s0  }
0xbd: {  	s0 =	sadd.s32 $0x8F2B, s0  }
0xbe: {  	[sflag:s0] =	ssyncadd.remote.s32 $0x1  }
0xbf: {  	_ =	sfence.sel $0xFFFF  }
0xc0: {  	[dreg:$0x0] =	wrdreg $0xFFFFFFFF;
	(pc) =	sbr.abs _section_cstart, $3  }
0xc1: {  	[dreg:$0x1] =	wrdreg $0xFFFFFFFF  }
0xc2: {  	_ =	task.clear_ibuf [dreg:s6], $0x2FFFF;
	_ =	strace $0x9FFFFFFF  }
0xc3: {  	(tm) =	ssettm $0x7FFFFFFF  }
tec
execute0_lowered:
.L_overlay_start_1:
0x0: {  	(tag) =	ssettag $0x1  }
0x1: {  	s0 =	rddreg [dreg:$0x0]  }
0x2: {  	s1 =	srdreg.scid;
	s2 =	rddreg [dreg:$0x1]  }
0x3: {  	s11 =	stileid.u32;
	s13 =	rddreg [dreg:$0x2]  }
0x4: {  	s4 =	simm.s32 $0x0;
	s19 =	simm.s32 $0x1400;
	s20 =	simm.s32 $0x3  }
0x5: {  	s21 =	simm.s32 $0xA00;
	s22 =	simm.s32 $0x80;
	s23 =	simm.s32 $0x5400  }
0x6: {  	s24 =	simm.s32 $0x1;
	s28 =	simm.s32 $0x980;
	s3 =	smul.u32 $0x14000, s11  }
0x7: {  	s29 =	simm.s32 $0x1300;
	s30 =	simm.s32 $0x1380;
	s14 =	smul.u32 $0x280, s11  }
0x8: {  	s1 =	sand.u32 $0x1, s1;
	[smem:$0x7FF] =	sst s4;
	s10 =	smul.u32 $0x50000, s11  }
0x9: {  	s5 =	sadd.s32 $0x1800, s0;
	s6 =	sadd.s32 $0x29800, s0;
	s8 =	smul.u32 $0x140000, s1  }
0xa: {  	s7 =	sadd.s32 $0x33800, s0;
	s11 =	sshll.u32 s11, $0x1;
	s9 =	smul.u32 $0x2800, s1  }
0xb: {  	_ =	strace $0x80000047;
	s25 =	ssub.s32 $0x2, s1;
	s1 =	sor.u32 s1, s11  }
0xc: {  	s26 =	sshrl.u32 s25, $0x1;
	s10 =	sshrl.u32 s10, $0x2;
	s13 =	sadd.s32 s14, s13  }
0xd: {  	s15 =	smul.u32 $0x2800, s1;
	s8 =	sadd.s32 s3, s8;
	s9 =	sadd.s32 s14, s9  }
0xe: {  	s18 =	ssub.s32 s25, s26;
	s12 =	sadd.s32 s10, s2;
	s14 =	sadd.s32 $0x9400, s14  }
0xf: {  	s25 =	simm.s32 $0x9400;
	s26 =	simm.s32 $0x2;
	s8 =	sshrl.u32 s8, $0x3  }
0x10: {  	s9 =	sshrl.u32 s9, $0x3;
	s31 =	sadd.s32 $0x4000, s12;
	s10 =	sadd.s32 $0x8000, s12  }
0x11: {  	v0 =	vlaneseq.u32;
	s11 =	sadd.s32 $0xC000, s12;
	s12 =	sadd.s32 $0x10000, s12;
	s18 =	smax.u32 s18, $0x1  }
0x12: {  	v1 =	vimm.f32 $0.0e+00;
	v6 =	vimm.f32 $1.000000000e+00;
	v2 =	vor.u32 $0x10, v0;
	s16 =	sadd.s32 s8, s0;
	s0 =	sadd.s32 s9, s0;
	s8 =	sadd.s32 s3, s2  }
0x13: {  	v3 =	vor.u32 $0x20, v0;
	v4 =	vor.u32 $0x30, v0;
	v5 =	vor.u32 $0x40, v0;
	[dreg:$0x4] =	wrdreg s31;
	s16 =	sadd.s32 $0x3D800, s16;
	s17 =	sadd.s32 $0x8D800, s0  }
.LBB2_1:
0x14: {  	s0 =	simm.s32 $0x0;
	s3 =	simm.s32 $0x200  }
.LBB2_2:
0x15: {  	p0 =	sne.s32 s3, $0xFE00;
	[tilespmem:s0+$0x1470] =	vst v1  }
0x16: {  	[tilespmem:s0+$0x1400] =	vst v1  }
0x17: {  	[tilespmem:s0+$0x1410] =	vst v1  }
.Ltmp0:
0x18: {  	[tilespmem:s0+$0x1420] =	vst v1;
	(pc) =	sbr.rel @p0 .LBB2_2-.Ltmp0, $4  }
0x19: {  	[tilespmem:s0+$0x1430] =	vst v1  }
0x1a: {  	[tilespmem:s0+$0x1440] =	vst v1  }
0x1b: {  	[tilespmem:s0+$0x1450] =	vst v1  }
0x1c: {  	[tilespmem:s0+$0x1460] =	vst v1;
	s0 =	sshra.s32 s3, $0x2;
	s3 =	sadd.s32 $0x200, s3  }
0x1d: {  	[tilespmem:s0+$0x1470] =	vst v1  }
0x1e: {  	[tilespmem:s0+$0x1400] =	vst v1  }
0x1f: {  	[tilespmem:s0+$0x1410] =	vst v1  }
0x20: {  	[tilespmem:s0+$0x1420] =	vst v1  }
0x21: {  	[tilespmem:s0+$0x1430] =	vst v1  }
0x22: {  	[tilespmem:s0+$0x1440] =	vst v1  }
0x23: {  	[tilespmem:s0+$0x1450] =	vst v1  }
0x24: {  	[tilespmem:s0+$0x1460] =	vst v1;
	s0 =	simm.s32 $0x0;
	s3 =	simm.s32 $0x200  }
.LBB2_4:
0x25: {  	p0 =	sne.s32 s3, $0x9E00;
	[tilespmem:s0+$0x9470] =	vst v1  }
0x26: {  	[tilespmem:s0+$0x9400] =	vst v1  }
0x27: {  	[tilespmem:s0+$0x9410] =	vst v1  }
.Ltmp1:
0x28: {  	[tilespmem:s0+$0x9420] =	vst v1;
	(pc) =	sbr.rel @p0 .LBB2_4-.Ltmp1, $4  }
0x29: {  	[tilespmem:s0+$0x9430] =	vst v1  }
0x2a: {  	[tilespmem:s0+$0x9440] =	vst v1  }
0x2b: {  	[tilespmem:s0+$0x9450] =	vst v1  }
0x2c: {  	[tilespmem:s0+$0x9460] =	vst v1;
	s0 =	sshra.s32 s3, $0x2;
	s3 =	sadd.s32 $0x200, s3  }
0x2d: {  	[tilespmem:s0+$0x9470] =	vst v1  }
0x2e: {  	[tilespmem:s0+$0x9400] =	vst v1  }
0x2f: {  	[tilespmem:s0+$0x9410] =	vst v1  }
0x30: {  	[tilespmem:s0+$0x9420] =	vst v1  }
0x31: {  	[tilespmem:s0+$0x9430] =	vst v1  }
0x32: {  	[tilespmem:s0+$0x9440] =	vst v1  }
0x33: {  	[tilespmem:s0+$0x9450] =	vst v1  }
0x34: {  	[tilespmem:s0+$0x9460] =	vst v1  }
0x35: {  	[tilespmem:$0xBC00] =	vst v0  }
0x36: {  	[tilespmem:$0xBC10] =	vst v2  }
0x37: {  	[tilespmem:$0xBC20] =	vst v3  }
0x38: {  	[tilespmem:$0xBC30] =	vst v4  }
0x39: {  	[tilespmem:$0xBC40] =	vst v5  }
0x3a: {  	[spmem:s8] =	stream.linear.scatter [tilespmem:s19], [sflag:$0x3], $0x4000, $0x38;
	[tilespmem:$0x1FED0] =	vst v63  }
0x3b: {  	_ =	swait.ge [sflag:s20], $0x4000  }
0x3c: {  	[sflag:s20] =	ssyncset.done $0x0  }
0x3d: {  	s31 =	rddreg [dreg:$0x4];
	[sflag:s20] =	ssyncadd.s32 $0xFFFFC000  }
0x3e: {  	[spmem:s31] =	stream.linear.scatter [tilespmem:s19], [sflag:$0x3], $0x4000, $0x38;
	[tilespmem:$0x1FED0] =	vst v63  }
0x3f: {  	_ =	swait.ge [sflag:s20], $0x4000  }
0x40: {  	[sflag:s20] =	ssyncset.done $0x0  }
0x41: {  	[sflag:s20] =	ssyncadd.s32 $0xFFFFC000  }
0x42: {  	[spmem:s10] =	stream.linear.scatter [tilespmem:s19], [sflag:$0x3], $0x4000, $0x38;
	[tilespmem:$0x1FED0] =	vst v63  }
0x43: {  	_ =	swait.ge [sflag:s20], $0x4000  }
0x44: {  	[sflag:s20] =	ssyncset.done $0x0  }
0x45: {  	[sflag:s20] =	ssyncadd.s32 $0xFFFFC000  }
0x46: {  	[spmem:s11] =	stream.linear.scatter [tilespmem:s19], [sflag:$0x3], $0x4000, $0x38;
	[tilespmem:$0x1FED0] =	vst v63  }
0x47: {  	_ =	swait.ge [sflag:s20], $0x4000  }
0x48: {  	[sflag:s20] =	ssyncset.done $0x0  }
0x49: {  	[sflag:s20] =	ssyncadd.s32 $0xFFFFC000  }
0x4a: {  	[spmem:s12] =	stream.linear.scatter [tilespmem:s19], [sflag:$0x3], $0x4000, $0x38;
	[tilespmem:$0x1FED0] =	vst v63  }
0x4b: {  	_ =	swait.ge [sflag:s20], $0x4000  }
0x4c: {  	[sflag:s20] =	ssyncset.done $0x0  }
0x4d: {  	[sflag:s20] =	ssyncadd.s32 $0xFFFFC000  }
0x4e: {  	[spmem:s13] =	stream.linear.scatter [tilespmem:s14], [sflag:$0x3], $0x280, $0x38;
	[tilespmem:$0x1FED0] =	vst v63  }
0x4f: {  	_ =	swait.ge [sflag:s20], $0x280  }
0x50: {  	[sflag:s20] =	ssyncset.done $0x0  }
0x51: {  	[sflag:s20] =	ssyncadd.s32 $0xFFFFFD80  }
0x52: {  	s3 =	simm.s32 $0x0;
	s0 =	simm.s32 $0x0;
	[bflag:$0x0] =	sbarrier.arrive $0xFFFF  }
.LBB2_6:
0x53: {  	s31 =	smul.u32 $0xA00, s0;
	_ =	sdelay $0x1  }
0x54: {  	s31 =	sadd.s32 s15, s31  }
0x55: {  	s31 =	sshrl.u32 s31, $0x3  }
0x56: {  	s1 =	sadd.s32 s6, s31  }
0x57: {  	[tilespmem:s3], [sflag:$0x3] =	stream.linear.gather [hbm4b:s1+s3], $0xA00, $0x38;
	[tilespmem:$0x1FED0] =	vst v63  }
0x58: {  	_ =	swait.ge [sflag:s20], $0xA00  }
0x59: {  	[sflag:s20] =	ssyncset.done $0x0  }
0x5a: {  	s9 =	sadd.s32 s7, s31;
	[sflag:s20] =	ssyncadd.s32 $0xFFFFF600  }
0x5b: {  	[tilespmem:s21], [sflag:$0x3] =	stream.linear.gather [hbm4b:s9+s3], $0xA00, $0x38;
	[tilespmem:$0x1FED0] =	vst v63  }
0x5c: {  	_ =	swait.ge [sflag:s20], $0xA00  }
0x5d: {  	[sflag:s20] =	ssyncset.done $0x0  }
0x5e: {  	s31 =	simm.s32 $0x0;
	[sflag:s20] =	ssyncadd.s32 $0xFFFFF600  }
0x5f: {  	[tilespmem:s19], [sflag:$0x1] =	stream.indirect.gather [hbm4b:s5+s22], $0x80, s3, s22, $0xb8;
	[tilespmem:$0x1FED0] =	vst v63  }
.LBB2_7:
0x60: {  	s1 =	sshra.s32 s31, $0x2  }
0x61: {  	s9 =	sadd.s32 $0x80, s1  }
0x62: {  	[tilespmem:s23], [sflag:$0x2] =	stream.indirect.gather [hbm4b:s5+s22], $0x80, s9, s22, $0xb8;
	[tilespmem:$0x1FED0] =	vst v63  }
0x63: {  	_ =	swait.ge [sflag:s24], $0x4000  }
0x64: {  	[sflag:s24] =	ssyncset.done $0x0  }
0x65: {  	s9 =	sadd.s32 $0xA00, s1;
	[sflag:s24] =	ssyncadd.s32 $0xFFFFC000  }
0x66: {  	[spmem:s2] =	stream.indirect.scatter.add.f32 [tilespmem:s19], [sflag:$0x3], $0x80, s9, s22, $0xb8;
	[tilespmem:$0x1FED0] =	vst v63  }
0x67: {  	_ =	swait.ge [sflag:s20], $0x4000  }
0x68: {  	[sflag:s20] =	ssyncset.done $0x0  }
0x69: {  	s9 =	sadd.s32 $0x100, s1;
	[sflag:s20] =	ssyncadd.s32 $0xFFFFC000  }
0x6a: {  	[tilespmem:s19], [sflag:$0x1] =	stream.indirect.gather [hbm4b:s5+s22], $0x80, s9, s22, $0xb8;
	[tilespmem:$0x1FED0] =	vst v63  }
0x6b: {  	v7 =	vld [tilespmem:s1+$0xA00];
	_ =	sdelay $0x7  }
0x6c: {  	[tilespmem:v7+s25+$0x0] =	vst.idx.add.f32.msk $0xffff, v6  }
0x6d: {  	v7 =	vld [tilespmem:s1+$0xA10];
	_ =	sdelay $0x7  }
0x6e: {  	[tilespmem:v7+s25+$0x0] =	vst.idx.add.f32.msk $0xffff, v6  }
0x6f: {  	v7 =	vld [tilespmem:s1+$0xA20];
	_ =	sdelay $0x7  }
0x70: {  	[tilespmem:v7+s25+$0x0] =	vst.idx.add.f32.msk $0xffff, v6  }
0x71: {  	v7 =	vld [tilespmem:s1+$0xA30];
	_ =	sdelay $0x7  }
0x72: {  	[tilespmem:v7+s25+$0x0] =	vst.idx.add.f32.msk $0xffff, v6  }
0x73: {  	v7 =	vld [tilespmem:s1+$0xA40];
	_ =	sdelay $0x7  }
0x74: {  	[tilespmem:v7+s25+$0x0] =	vst.idx.add.f32.msk $0xffff, v6  }
0x75: {  	v7 =	vld [tilespmem:s1+$0xA50];
	_ =	sdelay $0x7  }
0x76: {  	[tilespmem:v7+s25+$0x0] =	vst.idx.add.f32.msk $0xffff, v6  }
0x77: {  	v7 =	vld [tilespmem:s1+$0xA60];
	_ =	sdelay $0x7  }
0x78: {  	[tilespmem:v7+s25+$0x0] =	vst.idx.add.f32.msk $0xffff, v6  }
0x79: {  	v7 =	vld [tilespmem:s1+$0xA70];
	_ =	sdelay $0x7  }
0x7a: {  	[tilespmem:v7+s25+$0x0] =	vst.idx.add.f32.msk $0xffff, v6  }
0x7b: {  	_ =	swait.ge [sflag:s26], $0x4000  }
0x7c: {  	[sflag:s26] =	ssyncset.done $0x0  }
0x7d: {  	s9 =	sadd.s32 $0xA80, s1;
	[sflag:s26] =	ssyncadd.s32 $0xFFFFC000  }
0x7e: {  	[spmem:s2] =	stream.indirect.scatter.add.f32 [tilespmem:s23], [sflag:$0x3], $0x80, s9, s22, $0xb8;
	[tilespmem:$0x1FED0] =	vst v63  }
0x7f: {  	_ =	swait.ge [sflag:s20], $0x4000  }
0x80: {  	[sflag:s20] =	ssyncset.done $0x0  }
0x81: {  	[sflag:s20] =	ssyncadd.s32 $0xFFFFC000  }
0x82: {  	v7 =	vld [tilespmem:s1+$0xA80];
	_ =	sdelay $0x7  }
0x83: {  	[tilespmem:v7+s25+$0x0] =	vst.idx.add.f32.msk $0xffff, v6  }
0x84: {  	v7 =	vld [tilespmem:s1+$0xA90];
	_ =	sdelay $0x7  }
0x85: {  	[tilespmem:v7+s25+$0x0] =	vst.idx.add.f32.msk $0xffff, v6  }
0x86: {  	v7 =	vld [tilespmem:s1+$0xAA0];
	_ =	sdelay $0x7  }
0x87: {  	[tilespmem:v7+s25+$0x0] =	vst.idx.add.f32.msk $0xffff, v6  }
0x88: {  	v7 =	vld [tilespmem:s1+$0xAB0];
	_ =	sdelay $0x7  }
0x89: {  	[tilespmem:v7+s25+$0x0] =	vst.idx.add.f32.msk $0xffff, v6  }
0x8a: {  	v7 =	vld [tilespmem:s1+$0xAC0];
	_ =	sdelay $0x7  }
0x8b: {  	[tilespmem:v7+s25+$0x0] =	vst.idx.add.f32.msk $0xffff, v6  }
0x8c: {  	v7 =	vld [tilespmem:s1+$0xAD0];
	_ =	sdelay $0x7  }
0x8d: {  	[tilespmem:v7+s25+$0x0] =	vst.idx.add.f32.msk $0xffff, v6  }
0x8e: {  	v7 =	vld [tilespmem:s1+$0xAE0];
	_ =	sdelay $0x7  }
0x8f: {  	[tilespmem:v7+s25+$0x0] =	vst.idx.add.f32.msk $0xffff, v6  }
0x90: {  	v7 =	vld [tilespmem:s1+$0xAF0];
	_ =	sdelay $0x2  }
0x91: {  	p0 =	sne.s32 s31, $0x2000  }
.Ltmp2:
0x92: {  	_ = 	snop;
	(pc) =	sbr.rel @p0 .LBB2_7-.Ltmp2, $2  }
0x93: {  	_ =	sdelay $0x2  }
0x94: {  	s31 =	sadd.s32 $0x400, s31;
	[tilespmem:v7+s25+$0x0] =	vst.idx.add.f32.msk $0xffff, v6  }
0x95: {  	[tilespmem:s23], [sflag:$0x2] =	stream.indirect.gather [hbm4b:s5+s22], $0x80, s28, s22, $0xb8;
	[tilespmem:$0x1FED0] =	vst v63  }
0x96: {  	_ =	swait.ge [sflag:s24], $0x4000  }
0x97: {  	[sflag:s24] =	ssyncset.done $0x0  }
0x98: {  	[sflag:s24] =	ssyncadd.s32 $0xFFFFC000  }
0x99: {  	[spmem:s2] =	stream.indirect.scatter.add.f32 [tilespmem:s19], [sflag:$0x3], $0x80, s29, s22, $0xb8;
	[tilespmem:$0x1FED0] =	vst v63  }
0x9a: {  	_ =	swait.ge [sflag:s20], $0x4000  }
0x9b: {  	[sflag:s20] =	ssyncset.done $0x0  }
0x9c: {  	[sflag:s20] =	ssyncadd.s32 $0xFFFFC000  }
0x9d: {  	v7 =	vld [tilespmem:$0x1300];
	_ =	sdelay $0x7  }
0x9e: {  	[tilespmem:v7+s25+$0x0] =	vst.idx.add.f32.msk $0xffff, v6  }
0x9f: {  	v7 =	vld [tilespmem:$0x1310];
	_ =	sdelay $0x7  }
0xa0: {  	[tilespmem:v7+s25+$0x0] =	vst.idx.add.f32.msk $0xffff, v6  }
0xa1: {  	v7 =	vld [tilespmem:$0x1320];
	_ =	sdelay $0x7  }
0xa2: {  	[tilespmem:v7+s25+$0x0] =	vst.idx.add.f32.msk $0xffff, v6  }
0xa3: {  	v7 =	vld [tilespmem:$0x1330];
	_ =	sdelay $0x7  }
0xa4: {  	[tilespmem:v7+s25+$0x0] =	vst.idx.add.f32.msk $0xffff, v6  }
0xa5: {  	v7 =	vld [tilespmem:$0x1340];
	_ =	sdelay $0x7  }
0xa6: {  	[tilespmem:v7+s25+$0x0] =	vst.idx.add.f32.msk $0xffff, v6  }
0xa7: {  	v7 =	vld [tilespmem:$0x1350];
	_ =	sdelay $0x7  }
0xa8: {  	[tilespmem:v7+s25+$0x0] =	vst.idx.add.f32.msk $0xffff, v6  }
0xa9: {  	v7 =	vld [tilespmem:$0x1360];
	_ =	sdelay $0x7  }
0xaa: {  	[tilespmem:v7+s25+$0x0] =	vst.idx.add.f32.msk $0xffff, v6  }
0xab: {  	v7 =	vld [tilespmem:$0x1370];
	_ =	sdelay $0x7  }
0xac: {  	[tilespmem:v7+s25+$0x0] =	vst.idx.add.f32.msk $0xffff, v6  }
0xad: {  	_ =	swait.ge [sflag:s26], $0x4000  }
0xae: {  	[sflag:s26] =	ssyncset.done $0x0  }
0xaf: {  	[sflag:s26] =	ssyncadd.s32 $0xFFFFC000  }
0xb0: {  	[spmem:s2] =	stream.indirect.scatter.add.f32 [tilespmem:s23], [sflag:$0x3], $0x80, s30, s22, $0xb8;
	[tilespmem:$0x1FED0] =	vst v63  }
0xb1: {  	_ =	swait.ge [sflag:s20], $0x4000  }
0xb2: {  	[sflag:s20] =	ssyncset.done $0x0  }
0xb3: {  	[sflag:s20] =	ssyncadd.s32 $0xFFFFC000  }
0xb4: {  	v7 =	vld [tilespmem:$0x1380];
	_ =	sdelay $0x7  }
0xb5: {  	[tilespmem:v7+s25+$0x0] =	vst.idx.add.f32.msk $0xffff, v6  }
0xb6: {  	v7 =	vld [tilespmem:$0x1390];
	_ =	sdelay $0x7  }
0xb7: {  	[tilespmem:v7+s25+$0x0] =	vst.idx.add.f32.msk $0xffff, v6  }
0xb8: {  	v7 =	vld [tilespmem:$0x13A0];
	_ =	sdelay $0x7  }
0xb9: {  	[tilespmem:v7+s25+$0x0] =	vst.idx.add.f32.msk $0xffff, v6  }
0xba: {  	v7 =	vld [tilespmem:$0x13B0];
	_ =	sdelay $0x7  }
0xbb: {  	[tilespmem:v7+s25+$0x0] =	vst.idx.add.f32.msk $0xffff, v6  }
0xbc: {  	v7 =	vld [tilespmem:$0x13C0];
	_ =	sdelay $0x7  }
0xbd: {  	[tilespmem:v7+s25+$0x0] =	vst.idx.add.f32.msk $0xffff, v6  }
0xbe: {  	v7 =	vld [tilespmem:$0x13D0];
	_ =	sdelay $0x7  }
0xbf: {  	[tilespmem:v7+s25+$0x0] =	vst.idx.add.f32.msk $0xffff, v6  }
0xc0: {  	v7 =	vld [tilespmem:$0x13E0];
	_ =	sdelay $0x7  }
0xc1: {  	[tilespmem:v7+s25+$0x0] =	vst.idx.add.f32.msk $0xffff, v6  }
0xc2: {  	v7 =	vld [tilespmem:$0x13F0];
	_ =	sdelay $0x1  }
0xc3: {  	s0 =	sadd.s32 $0x1, s0  }
0xc4: {  	p0 =	sne.s32 s0, $0x4  }
.Ltmp3:
0xc5: {  	_ = 	snop;
	(pc) =	sbr.rel @p0 .LBB2_6-.Ltmp3, $2  }
0xc6: {  	_ =	sdelay $0x2  }
0xc7: {  	[tilespmem:v7+s25+$0x0] =	vst.idx.add.f32.msk $0xffff, v6  }
0xc8: {  	s0 =	rddreg [dreg:$0x2];
	s1 =	simm.s32 $0x50;
	s3 =	simm.s32 $0xBC00  }
0xc9: {  	[spmem:s0] =	stream.indirect.scatter.add.f32 [tilespmem:s25], [sflag:$0x3], $0x80, s3, s1, $0xb8;
	[tilespmem:$0x1FED0] =	vst v63  }
0xca: {  	_ =	swait.ge [sflag:s20], $0x2800  }
0xcb: {  	s3 =	stileid.u32;
	[sflag:s20] =	ssyncset.done $0x0  }
0xcc: {  	s0 =	sshll.u32 s3, $0x6;
	[sflag:s20] =	ssyncadd.s32 $0xFFFFD800  }
0xcd: {  	s9 =	sshrl.u32 s8, $0x3;
	s0 =	sor.u32 $0x1C03, s0;
	[bflag:$0x0] =	sbarrier.arrive $0xFFFF  }
0xce: {  	[hbm:s16], [sflag:s0] =	dma.local [spmem:s9], $0x2800  }
0xcf: {  	s4 =	sadd.s32 $0x1, s4;
	_ =	swait.ge [sflag:s20], $0x2800  }
0xd0: {  	p0 =	sne.s32 s4, s18;
	[sflag:s20] =	ssyncset.done $0x0  }
.Ltmp4:
0xd1: {  	s31 =	sshrl.u32 s13, $0x3;
	[sflag:s20] =	ssyncadd.s32 $0xFFFFD800;
	(pc) =	sbr.rel @p0 .LBB2_1-.Ltmp4, $4  }
0xd2: {  	[hbm:s17], [sflag:s0] =	dma.local [spmem:s31], $0x50  }
0xd3: {  	_ =	swait.ge [sflag:s20], $0x50  }
0xd4: {  	[sflag:s20] =	ssyncset.done $0x0  }
0xd5: {  	[sflag:s20] =	ssyncadd.s32 $0xFFFFFFB0  }
0xd6: {  	_ =	sfence.sel $0x180000  }
0xd7: {  	[bflag:$0x0] =	sbarrier.arrive $0xFFFF  }
0xd8: {  	_ =	strace $0x90000047  }
0xd9: {  	s0 =	stileid.u32;
	[bflag:$0x2] =	sbarrier.arrive $0xFFFF  }
0xda: {  	p0 =	sne.s32 s0, $0x0;
	s0 =	rddreg [dreg:$0x3]  }
0xdb: {  	s0 =	sadd.s32 @!p0 $0x100000, s0  }
0xdc: {  	[sflag:s0] =	ssyncadd.tile.s32 @!p0 $0x1;
	_ =	shalt  }
.Lfunc_end2:
_tile_overlayer_lowered:
.L_overlay_start_2:
0xdd: {  	(tag) =	ssettag $0x2  }
0xde: {  	s0 =	rddreg [dreg:$0x0];
	s2 =	stileid.u32  }
0xdf: {  	s1 =	rddreg [dreg:$0x1];
	p0 =	sne.s32 s2, $0x0  }
0xe0: {  	s3 =	rddreg [dreg:$0x2];
	[bflag:$0x3] =	sbarrier.arrive $0xFFFF;
	s2 =	simm.s32 @!p0 $0x1C03  }
0xe1: {  	[timem:s3], [sflag:s2] =	dma.local @!p0 [hbm:s0], s1  }
0xe2: {  	s0 =	simm.s32 @!p0 $0x3  }
0xe3: {  	_ =	swait.ge @!p0 [sflag:s0], s1  }
0xe4: {  	s1 =	ssub.s32 @!p0 $0x0, s1;
	[sflag:s0] =	ssyncset.done @!p0 $0x0  }
0xe5: {  	[sflag:s0] =	ssyncadd.s32 @!p0 s1  }
0xe6: {  	[bflag:$0x3] =	sbarrier.arrive $0xFFFF  }
0xe7: {  	_ =	shalt  }

// kernel: kernel.9.cloned.1.call-start
scs
__scs_entry_jumppad:
0x0: {  	(pc) =	sbr.rel $0x88, $3  }
0x1: {  	(tag) =	ssettag $0x0;
	lr =	simm.s32 $0x1  }
0x2: {  	[smem:$0x3F97] =	sst lr;
	_ =	strace $0xD0000000  }
0x3: {  	_ = 	snop  }
0x4: {  	_ = 	snop  }
0x5: {  	_ = 	snop  }
0x6: {  	_ = 	snop  }
0x7: {  	_ = 	snop  }
__scs_overlays_trampoline_lowered:
0x8: {  	[smem:$0x3FA6] =	sst s0  }
0x9: {  	[smem:$0x3FA7] =	sst s1  }
0xa: {  	[smem:$0x3FA8] =	sst s2  }
0xb: {  	[smem:$0x3FA9] =	sst s3  }
0xc: {  	[smem:$0x3FAA] =	sst s4  }
0xd: {  	[smem:$0x3FAB] =	sst s5  }
0xe: {  	[smem:$0x3FAC] =	sst s6  }
0xf: {  	[smem:$0x3FAD] =	sst s7  }
0x10: {  	[smem:$0x3FAE] =	sst s8  }
0x11: {  	[smem:$0x3FAF] =	sst s9;
	s0 =	simm.s32 @!p0 $0x0  }
0x12: {  	s1 =	sld [smem:$0x3F95];
	s0 =	simm.s32 @p0 $0x1  }
0x13: {  	[smem:$0x3FB0] =	sst s0;
	s0 =	simm.s32 @!p1 $0x0  }
0x14: {  	s2 =	sld [smem:$0x3F94];
	s0 =	simm.s32 @p1 $0x1  }
0x15: {  	[smem:$0x3FB1] =	sst s0;
	s0 =	simm.s32 @!p2 $0x0  }
0x16: {  	s3 =	sld [smem:$0x3FDB];
	s0 =	simm.s32 @p2 $0x1  }
0x17: {  	s4 =	simm.s32 $0x1BF5;
	[smem:$0x3FB3] =	sst s0  }
0x18: {  	s0 =	sld [smem:$0x3F96];
	_ =	swait.ge [sflag:s4], $0x0  }
0x19: {  	s7 =	sld [smem:$0x3F97]  }
0x1a: {  	s8 =	sadd.s32 $0xFFFFE003, lr  }
0x1b: {  	s9 =	sadd.s32 $0xFFFFFEF7, lr;
	s5 =	simm.s32 $0xFFFFFFFF;
	p2 =	slt.u32 s8, $0xFFFFF086  }
0x1c: {  	p1 =	slt.u32 s9, $0xF7A;
	s5 =	simm.s32 @!p2 $0x0  }
0x1d: {  	s5 =	simm.s32 @p1 $0x1;
	p0 =	seq.s32 s7, s2  }
0x1e: {  	s7 =	smul.u32 @!p0 $0xF7A, s2;
	p2 =	seq.s32 @!p0 s5, $0x0  }
0x1f: {  	s9 =	smul.u32 $0xF7A, s1;
	s8 =	simm.s32 @!p0 $0x1BF5;
	p2 =	por !p2, p0  }
0x20: {  	[sflag:s8] =	ssyncset.s32 @!p0 $0xFFFFF086;
	s6 =	sadd.s32 @!p0 s3, s7;
	s7 =	simm.s32 @!p0 $0x108  }
0x21: {  	s3 =	sadd.s32 s3, s9;
	s6 =	sadd.s32 @!p0 $0x88, s6;
	s7 =	simm.s32 @p2 $0x1082  }
0x22: {  	[simem:s7], [sflag:s8] =	dma.local @!p0 [hbm:s6], $0xF7A  }
0x23: {  	s9 =	sor.u32 $0xD0000000, s2;
	s6 =	simm.s32 $0x108;
	_ =	swait.ge @!p0 [sflag:s8], $0x0  }
0x24: {  	s3 =	sadd.s32 $0x88, s3;
	s6 =	simm.s32 @!p1 $0x1082;
	[sflag:s4] =	ssyncset.s32 $0xFFFFF086  }
0x25: {  	[simem:s6], [sflag:s4] =	dma.local [hbm:s3], $0xF7A  }
0x26: {  	[smem:$0x3F97] =	sst s1;
	(tag) =	ssettag s2;
	_ =	strace s9  }
0x27: {  	s1 =	sld [smem:$0x3FA7]  }
0x28: {  	s2 =	sld [smem:$0x3FA8]  }
0x29: {  	s4 =	sld [smem:$0x3FAA]  }
0x2a: {  	p0 =	seq.s32 s5, $0x0;
	s5 =	sld [smem:$0x3FAB]  }
0x2b: {  	s6 =	sld [smem:$0x3FAC]  }
0x2c: {  	s7 =	sld [smem:$0x3FAD]  }
0x2d: {  	s3 =	simm.s32 $0x108;
	s8 =	sld [smem:$0x3FAE]  }
0x2e: {  	s3 =	simm.s32 @!p0 $0x1082;
	s9 =	sld [smem:$0x3FAF]  }
0x2f: {  	lr =	sadd.s32 s0, s3;
	s0 =	sld [smem:$0x3FA6]  }
0x30: {  	s3 =	sld [smem:$0x3FA9]  }
0x31: {  	[smem:$0x3FB2] =	sst s10  }
0x32: {  	s10 =	sld [smem:$0x3FB0];
	_ =	sdelay $0x3  }
0x33: {  	p0 =	seq.s32 s10, $0x1;
	s10 =	sld [smem:$0x3FB2];
	_ =	sdelay $0x3  }
0x34: {  	[smem:$0x3FB2] =	sst s10  }
0x35: {  	s10 =	sld [smem:$0x3FB1];
	_ =	sdelay $0x3  }
0x36: {  	p1 =	seq.s32 s10, $0x1;
	s10 =	sld [smem:$0x3FB2];
	_ =	sdelay $0x3  }
0x37: {  	[smem:$0x3FB2] =	sst s10  }
0x38: {  	s10 =	sld [smem:$0x3FB3]  }
0x39: {  	_ = 	snop;
	(pc) =	sbr.ind lr, $3  }
0x3a: {  	_ = 	snop  }
0x3b: {  	_ = 	snop  }
0x3c: {  	p2 =	seq.s32 s10, $0x1;
	s10 =	sld [smem:$0x3FB2]  }
0x3d: {  	_ =	shalt  }
0x3e: {  	_ =	shalt  }
0x3f: {  	_ =	shalt  }
0x40: {  	_ =	shalt  }
0x41: {  	_ =	shalt  }
0x42: {  	_ =	shalt  }
0x43: {  	_ =	shalt  }
0x44: {  	_ =	shalt  }
0x45: {  	_ =	shalt  }
0x46: {  	_ =	shalt  }
0x47: {  	_ =	shalt  }
0x48: {  	_ =	shalt  }
0x49: {  	_ =	shalt  }
0x4a: {  	_ =	shalt  }
0x4b: {  	_ =	shalt  }
0x4c: {  	_ =	shalt  }
0x4d: {  	_ =	shalt  }
0x4e: {  	_ =	shalt  }
0x4f: {  	_ =	shalt  }
0x50: {  	_ =	shalt  }
0x51: {  	_ =	shalt  }
0x52: {  	_ =	shalt  }
0x53: {  	_ =	shalt  }
0x54: {  	_ =	shalt  }
0x55: {  	_ =	shalt  }
0x56: {  	_ =	shalt  }
0x57: {  	_ =	shalt  }
0x58: {  	_ =	shalt  }
0x59: {  	_ =	shalt  }
0x5a: {  	_ =	shalt  }
0x5b: {  	_ =	shalt  }
0x5c: {  	_ =	shalt  }
0x5d: {  	_ =	shalt  }
0x5e: {  	_ =	shalt  }
0x5f: {  	_ =	shalt  }
0x60: {  	_ =	shalt  }
0x61: {  	_ =	shalt  }
0x62: {  	_ =	shalt  }
0x63: {  	_ =	shalt  }
0x64: {  	_ =	shalt  }
0x65: {  	_ =	shalt  }
0x66: {  	_ =	shalt  }
0x67: {  	_ =	shalt  }
0x68: {  	_ =	shalt  }
0x69: {  	_ =	shalt  }
0x6a: {  	_ =	shalt  }
0x6b: {  	_ =	shalt  }
0x6c: {  	_ =	shalt  }
0x6d: {  	_ =	shalt  }
0x6e: {  	_ =	shalt  }
0x6f: {  	_ =	shalt  }
0x70: {  	_ =	shalt  }
0x71: {  	_ =	shalt  }
0x72: {  	_ =	shalt  }
0x73: {  	_ =	shalt  }
0x74: {  	_ =	shalt  }
0x75: {  	_ =	shalt  }
0x76: {  	_ =	shalt  }
0x77: {  	_ =	shalt  }
0x78: {  	_ =	shalt  }
0x79: {  	_ =	shalt  }
0x7a: {  	_ =	shalt  }
0x7b: {  	_ =	shalt  }
0x7c: {  	_ =	shalt  }
0x7d: {  	_ =	shalt  }
0x7e: {  	_ =	shalt  }
0x7f: {  	_ =	shalt  }
0x80: {  	_ =	shalt  }
0x81: {  	_ =	shalt  }
0x82: {  	_ =	shalt  }
0x83: {  	_ =	shalt  }
0x84: {  	_ =	shalt  }
0x85: {  	_ =	shalt  }
0x86: {  	_ =	shalt  }
0x87: {  	_ =	shalt  }
.Lfunc_end0:
.L_simem_size_0:
called_computation.1_lowered:
.L_overlay_start_0:
0x88: {  	s2 =	sld [smem:$0x3FD9]  }
0x89: {  	s3 =	sld [smem:$0x3FFE];
	_ =	sdelay $0x1  }
0x8a: {  	s1 =	srdreg.scid  }
0x8b: {  	s0 =	sand.u32 $0x1, s1  }
0x8c: {  	s17 =	sshll.u32 s0, $0xA;
	s2 =	sadd.s32 s3, s2  }
0x8d: {  	s2 =	sadd.s32 s2, s17  }
0x8e: {  	[smem:$0x3FBE] =	sst s2  }
0x8f: {  	_ = 	snop  }
0x90: {  	s2 =	sld [smem:$0x3FD0];
	(tm) =	ssettm $0x1  }
0x91: {  	s18 =	sld [smem:$0x3FFB];
	_ =	sdelay $0x3  }
0x92: {  	_ =	strace s18  }
0x93: {  	s3 =	sld [smem:$0x3FFC];
	_ =	sdelay $0x3  }
0x94: {  	_ =	strace s3  }
0x95: {  	s3 =	sld [smem:$0x3FFD];
	_ =	sdelay $0x3  }
0x96: {  	_ =	strace s3  }
0x97: {  	_ =	strace $0x8FFFFFFF  }
0x98: {  	s19 =	sld [smem:$0x3FDB];
	_ =	sdelay $0x1  }
0x99: {  	s4 =	simm.s32 $_scs_section_size  }
0x9a: {  	s5 =	simm.s32 $_size__tile_overlayer_lowered;
	s6 =	simm.s32 $_tile_overlayer_lowered  }
0x9b: {  	s22 =	simm.s32 $0x1BFF;
	s21 =	sshll.u32 s6, $0x1;
	s3 =	sadd.s32 s4, s19  }
0x9c: {  	s7 =	simm.s32 $0x0;
	s20 =	sshll.u32 s5, $0x1;
	s5 =	sadd.s32 s21, s3  }
0x9d: {  	[timem:s7], [sflag:s22] =	dma.local [hbm:s5], s20  }
0x9e: {  	_ =	swait.ge [sflag:s22], s20  }
0x9f: {  	s4 =	ssub.s32 $0x0, s20;
	[sflag:s22] =	ssyncset.done $0x0  }
0xa0: {  	[sflag:s22] =	ssyncadd.s32 s4;
	_ =	sdelay $0x1  }
0xa1: {  	s23 =	simm.s32 $0x1B8B  }
0xa2: {  	_ =	swait.ge [sflag:s23], $0x1  }
0xa3: {  	[sflag:s23] =	ssyncset.done $0x0  }
0xa4: {  	s25 =	simm.s32 $0x1B8E;
	s24 =	sld [smem:$0x3FFE];
	[sflag:s23] =	ssyncadd.s32 $0xFFFFFFFF  }
0xa5: {  	s26 =	simm.s32 $execute0_lowered;
	[smem:$0x3FD2] =	sst s25  }
0xa6: {  	s5 =	sshll.u32 s26, $0x1;
	_ =	strace $0x80000049;
	[dreg:$0x1] =	wrdreg $0xFFFFFFFF  }
0xa7: {  	s28 =	simm.s32 $_size_execute0_lowered;
	s3 =	sadd.s32 s3, s5;
	[dreg:$0x0] =	wrdreg $0x0  }
0xa8: {  	s5 =	sshll.u32 s28, $0x1;
	[dreg:$0x2] =	wrdreg s3  }
0xa9: {  	[dreg:$0x3] =	wrdreg s5  }
0xaa: {  	[dreg:$0x4] =	wrdreg $0xC0  }
0xab: {  	_ =	task [dreg:s7], $0x5FFFF  }
0xac: {  	[dreg:$0x1] =	wrdreg $0xFFFFFFFF  }
0xad: {  	[dreg:$0x0] =	wrdreg $0x60  }
0xae: {  	[dreg:$0x2] =	wrdreg s2  }
0xaf: {  	[dreg:$0x3] =	wrdreg s24  }
0xb0: {  	[dreg:$0x4] =	wrdreg $0xA0500  }
0xb1: {  	[dreg:$0x5] =	wrdreg $0x9  }
0xb2: {  	_ =	task.clear_ibuf [dreg:s7], $0x6FFFF;
	_ =	strace $0x90000049  }
0xb3: {  	s29 =	simm.s32 $0x9;
	_ =	strace $0x8000004B  }
0xb4: {  	_ =	swait.ge [sflag:s29], $0x1  }
0xb5: {  	[sflag:s29] =	ssyncadd.s32 $0xFFFFFFFF  }
0xb6: {  	_ =	strace $0x9000004B  }
0xb7: {  	_ =	sfence  }
0xb8: {  	s30 =	sld [smem:$0x0];
	_ =	sdelay $0x2  }
0xb9: {  	s31 =	sshll.u32 s1, $0xD;
	s1 =	sshrl.u32 s1, $0x2  }
0xba: {  	s3 =	sand.u32 $0x4000, s31;
	s1 =	sadd.s32 s1, s30  }
0xbb: {  	s0 =	sor.u32 s3, s0;
	s1 =	sshll.u32 s1, $0x11  }
0xbc: {  	s0 =	sor.u32 s1, s0  }
0xbd: {  	s0 =	sadd.s32 $0x8F2B, s0  }
0xbe: {  	[sflag:s0] =	ssyncadd.remote.s32 $0x1  }
0xbf: {  	_ =	sfence.sel $0xFFFF  }
0xc0: {  	[dreg:$0x0] =	wrdreg $0xFFFFFFFF;
	(pc) =	sbr.abs _section_cstart, $3  }
0xc1: {  	[dreg:$0x1] =	wrdreg $0xFFFFFFFF  }
0xc2: {  	_ =	task.clear_ibuf [dreg:s7], $0x2FFFF;
	_ =	strace $0x9FFFFFFF  }
0xc3: {  	(tm) =	ssettm $0x7FFFFFFF  }
tec
execute0_lowered:
.L_overlay_start_1:
0x0: {  	(tag) =	ssettag $0x1  }
0x1: {  	s1 =	rddreg [dreg:$0x0]  }
0x2: {  	s5 =	rddreg [dreg:$0x1]  }
0x3: {  	s3 =	rddreg [dreg:$0x2]  }
0x4: {  	s0 =	rddreg [dreg:$0x3];
	s4 =	srdreg.scid  }
0x5: {  	s2 =	stileid.u32;
	s11 =	simm.s32 $0x1;
	s12 =	simm.s32 $0x2800  }
0x6: {  	s13 =	simm.s32 $0x5000;
	s14 =	simm.s32 $0x7800;
	s15 =	simm.s32 $0x50  }
0x7: {  	s16 =	simm.s32 $0xA000;
	s19 =	simm.s32 $0x0;
	s6 =	sand.u32 $0x1, s4  }
0x8: {  	s7 =	sshll.u32 s2, $0x1;
	s8 =	smul.u32 $0x280, s2;
	s4 =	simm.s32 $0x0  }
0x9: {  	s17 =	sshll.u32 s2, $0x6;
	s7 =	sor.u32 s6, s7;
	s9 =	smul.u32 $0x2800, s6  }
0xa: {  	[smem:$0x7FF] =	sst s4;
	s6 =	ssub.s32 $0x2, s6;
	s17 =	sor.u32 $0x1C01, s17  }
0xb: {  	s7 =	smul.u32 $0x500, s7;
	s10 =	sshrl.u32 s6, $0x1;
	s9 =	sadd.s32 s8, s9  }
0xc: {  	_ =	strace $0x8000004A;
	s10 =	ssub.s32 s6, s10;
	s9 =	sshrl.u32 s9, $0x3  }
0xd: {  	v0 =	vlaneseq.u32;
	s7 =	sadd.s32 s7, s5;
	s10 =	smax.u32 s10, $0x1;
	s9 =	sadd.s32 s9, s5  }
0xe: {  	v1 =	vimm.f32 $0.0e+00;
	v2 =	vor.u32 $0x10, v0;
	s5 =	sadd.s32 $0x29800, s7;
	s6 =	sadd.s32 $0x33800, s7;
	s7 =	sadd.s32 s8, s3  }
0xf: {  	v3 =	vor.u32 $0x20, v0;
	v4 =	vor.u32 $0x30, v0;
	v5 =	vor.u32 $0x40, v0;
	s8 =	sadd.s32 $0x7800, s8;
	s9 =	sadd.s32 $0x1800, s9;
	s18 =	sshrl.u32 s7, $0x3  }
.LBB2_1:
0x10: {  	[tilespmem:s4], [sflag:$0x1] =	stream.linear.gather [hbm4b:s5+s4], $0x2800, $0x38;
	[tilespmem:$0xA2D0] =	vst v63  }
0x11: {  	_ =	swait.ge [sflag:s11], $0x2800  }
0x12: {  	[sflag:s11] =	ssyncset.done $0x0  }
0x13: {  	[sflag:s11] =	ssyncadd.s32 $0xFFFFD800  }
0x14: {  	[tilespmem:s12], [sflag:$0x1] =	stream.linear.gather [hbm4b:s6+s4], $0x2800, $0x38;
	[tilespmem:$0xA2D0] =	vst v63  }
0x15: {  	_ =	swait.ge [sflag:s11], $0x2800  }
0x16: {  	[sflag:s11] =	ssyncset.done $0x0  }
0x17: {  	[sflag:s11] =	ssyncadd.s32 $0xFFFFD800  }
0x18: {  	[tilespmem:s13], [sflag:$0x1] =	stream.linear.gather [hbm4b:s1+s4], $0x2800, $0x38;
	[tilespmem:$0xA2D0] =	vst v63  }
0x19: {  	_ =	swait.ge [sflag:s11], $0x2800  }
0x1a: {  	[sflag:s11] =	ssyncset.done $0x0  }
0x1b: {  	s20 =	simm.s32 $0x0;
	s21 =	simm.s32 $0x200;
	[sflag:s11] =	ssyncadd.s32 $0xFFFFD800  }
.LBB2_2:
0x1c: {  	p0 =	sne.s32 s21, $0x9E00;
	[tilespmem:s20+$0x7870] =	vst v1  }
0x1d: {  	[tilespmem:s20+$0x7800] =	vst v1  }
0x1e: {  	[tilespmem:s20+$0x7810] =	vst v1  }
.Ltmp0:
0x1f: {  	[tilespmem:s20+$0x7820] =	vst v1;
	(pc) =	sbr.rel @p0 .LBB2_2-.Ltmp0, $4  }
0x20: {  	[tilespmem:s20+$0x7830] =	vst v1  }
0x21: {  	[tilespmem:s20+$0x7840] =	vst v1  }
0x22: {  	[tilespmem:s20+$0x7850] =	vst v1  }
0x23: {  	[tilespmem:s20+$0x7860] =	vst v1;
	s20 =	sshra.s32 s21, $0x2;
	s21 =	sadd.s32 $0x200, s21  }
0x24: {  	[tilespmem:s20+$0x7870] =	vst v1  }
0x25: {  	[tilespmem:s20+$0x7800] =	vst v1  }
0x26: {  	[tilespmem:s20+$0x7810] =	vst v1  }
0x27: {  	[tilespmem:s20+$0x7820] =	vst v1  }
0x28: {  	[tilespmem:s20+$0x7830] =	vst v1  }
0x29: {  	[tilespmem:s20+$0x7840] =	vst v1  }
0x2a: {  	[tilespmem:s20+$0x7850] =	vst v1  }
0x2b: {  	[tilespmem:s20+$0x7860] =	vst v1  }
0x2c: {  	[tilespmem:$0xA000] =	vst v0  }
0x2d: {  	[tilespmem:$0xA010] =	vst v2  }
0x2e: {  	[tilespmem:$0xA020] =	vst v3  }
0x2f: {  	[tilespmem:$0xA030] =	vst v4  }
0x30: {  	[tilespmem:$0xA040] =	vst v5  }
0x31: {  	[spmem:s7] =	stream.linear.scatter [tilespmem:s8], [sflag:$0x1], $0x280, $0x38;
	[tilespmem:$0xA2D0] =	vst v63  }
0x32: {  	_ =	swait.ge [sflag:s11], $0x280  }
0x33: {  	[sflag:s11] =	ssyncset.done $0x0  }
0x34: {  	[sflag:s11] =	ssyncadd.s32 $0xFFFFFD80  }
0x35: {  	s20 =	simm.s32 $0x0;
	[bflag:$0x0] =	sbarrier.arrive $0xFFFF  }
.LBB2_4:
0x36: {  	s21 =	sshra.s32 s20, $0x2  }
0x37: {  	v6 =	vld [tilespmem:s21+$0x0];
	_ =	sdelay $0x4  }
0x38: {  	v7 =	vld [tilespmem:s21+$0x2800];
	_ =	sdelay $0x2  }
0x39: {  	v6 =	vld.idx.msk [tilespmem:v6+s13+$0x0], $0xffff;
	_ =	sdelay $0x4  }
0x3a: {  	[tilespmem:v7+s14+$0x0] =	vst.idx.add.f32.msk $0xffff, v6  }
0x3b: {  	v6 =	vld [tilespmem:s21+$0x10];
	_ =	sdelay $0x4  }
0x3c: {  	v7 =	vld [tilespmem:s21+$0x2810];
	_ =	sdelay $0x2  }
0x3d: {  	v6 =	vld.idx.msk [tilespmem:v6+s13+$0x0], $0xffff;
	_ =	sdelay $0x4  }
0x3e: {  	[tilespmem:v7+s14+$0x0] =	vst.idx.add.f32.msk $0xffff, v6  }
0x3f: {  	v6 =	vld [tilespmem:s21+$0x20];
	_ =	sdelay $0x4  }
0x40: {  	v7 =	vld [tilespmem:s21+$0x2820];
	_ =	sdelay $0x2  }
0x41: {  	v6 =	vld.idx.msk [tilespmem:v6+s13+$0x0], $0xffff;
	_ =	sdelay $0x4  }
0x42: {  	[tilespmem:v7+s14+$0x0] =	vst.idx.add.f32.msk $0xffff, v6  }
0x43: {  	v6 =	vld [tilespmem:s21+$0x30];
	_ =	sdelay $0x4  }
0x44: {  	v7 =	vld [tilespmem:s21+$0x2830];
	_ =	sdelay $0x2  }
0x45: {  	v6 =	vld.idx.msk [tilespmem:v6+s13+$0x0], $0xffff;
	_ =	sdelay $0x4  }
0x46: {  	[tilespmem:v7+s14+$0x0] =	vst.idx.add.f32.msk $0xffff, v6  }
0x47: {  	v6 =	vld [tilespmem:s21+$0x40];
	_ =	sdelay $0x4  }
0x48: {  	v7 =	vld [tilespmem:s21+$0x2840];
	_ =	sdelay $0x2  }
0x49: {  	v6 =	vld.idx.msk [tilespmem:v6+s13+$0x0], $0xffff;
	_ =	sdelay $0x4  }
0x4a: {  	[tilespmem:v7+s14+$0x0] =	vst.idx.add.f32.msk $0xffff, v6  }
0x4b: {  	v6 =	vld [tilespmem:s21+$0x50];
	_ =	sdelay $0x4  }
0x4c: {  	v7 =	vld [tilespmem:s21+$0x2850];
	_ =	sdelay $0x2  }
0x4d: {  	v6 =	vld.idx.msk [tilespmem:v6+s13+$0x0], $0xffff;
	_ =	sdelay $0x4  }
0x4e: {  	[tilespmem:v7+s14+$0x0] =	vst.idx.add.f32.msk $0xffff, v6  }
0x4f: {  	v6 =	vld [tilespmem:s21+$0x60];
	_ =	sdelay $0x4  }
0x50: {  	v7 =	vld [tilespmem:s21+$0x2860];
	_ =	sdelay $0x2  }
0x51: {  	v6 =	vld.idx.msk [tilespmem:v6+s13+$0x0], $0xffff;
	_ =	sdelay $0x4  }
0x52: {  	[tilespmem:v7+s14+$0x0] =	vst.idx.add.f32.msk $0xffff, v6  }
0x53: {  	v6 =	vld [tilespmem:s21+$0x70];
	_ =	sdelay $0x4  }
0x54: {  	v7 =	vld [tilespmem:s21+$0x2870];
	_ =	sdelay $0x2  }
0x55: {  	p0 =	sne.s32 s20, $0x9E00;
	v6 =	vld.idx.msk [tilespmem:v6+s13+$0x0], $0xffff  }
.Ltmp1:
0x56: {  	_ = 	snop;
	(pc) =	sbr.rel @p0 .LBB2_4-.Ltmp1, $2  }
0x57: {  	_ =	sdelay $0x2  }
0x58: {  	s20 =	sadd.s32 $0x200, s20;
	[tilespmem:v7+s14+$0x0] =	vst.idx.add.f32.msk $0xffff, v6  }
0x59: {  	[spmem:s3] =	stream.indirect.scatter.add.f32 [tilespmem:s14], [sflag:$0x1], $0x80, s16, s15, $0xb8;
	[tilespmem:$0xA2D0] =	vst v63  }
0x5a: {  	_ =	swait.ge [sflag:s11], $0x2800  }
0x5b: {  	s19 =	sadd.s32 $0x1, s19;
	[sflag:s11] =	ssyncset.done $0x0  }
0x5c: {  	p0 =	sne.s32 s19, s10;
	[sflag:s11] =	ssyncadd.s32 $0xFFFFD800  }
.Ltmp2:
0x5d: {  	[bflag:$0x0] =	sbarrier.arrive $0xFFFF;
	(pc) =	sbr.rel @p0 .LBB2_1-.Ltmp2, $4  }
0x5e: {  	[hbm:s9], [sflag:s17] =	dma.local [spmem:s18], $0x50  }
0x5f: {  	_ =	swait.ge [sflag:s11], $0x50  }
0x60: {  	[sflag:s11] =	ssyncset.done $0x0  }
0x61: {  	[sflag:s11] =	ssyncadd.s32 $0xFFFFFFB0  }
0x62: {  	_ =	sfence.sel $0x180000  }
0x63: {  	[bflag:$0x0] =	sbarrier.arrive $0xFFFF  }
0x64: {  	p0 =	sne.s32 s2, $0x0;
	_ =	strace $0x9000004A  }
0x65: {  	s0 =	sadd.s32 @!p0 $0x100000, s0;
	[bflag:$0x2] =	sbarrier.arrive $0xFFFF  }
0x66: {  	[sflag:s0] =	ssyncadd.tile.s32 @!p0 $0x1;
	_ =	shalt  }
.Lfunc_end2:
_tile_overlayer_lowered:
.L_overlay_start_2:
0x67: {  	(tag) =	ssettag $0x2  }
0x68: {  	s0 =	rddreg [dreg:$0x0];
	s2 =	stileid.u32  }
0x69: {  	s1 =	rddreg [dreg:$0x1];
	p0 =	sne.s32 s2, $0x0  }
0x6a: {  	s3 =	rddreg [dreg:$0x2];
	[bflag:$0x3] =	sbarrier.arrive $0xFFFF;
	s2 =	simm.s32 @!p0 $0x1C01  }
0x6b: {  	[timem:s3], [sflag:s2] =	dma.local @!p0 [hbm:s0], s1  }
0x6c: {  	s0 =	simm.s32 @!p0 $0x1  }
0x6d: {  	_ =	swait.ge @!p0 [sflag:s0], s1  }
0x6e: {  	s1 =	ssub.s32 @!p0 $0x0, s1;
	[sflag:s0] =	ssyncset.done @!p0 $0x0  }
0x6f: {  	[sflag:s0] =	ssyncadd.s32 @!p0 s1  }
0x70: {  	[bflag:$0x3] =	sbarrier.arrive $0xFFFF  }
0x71: {  	_ =	shalt  }

</sc_bundles>
